<compile_context>
chip_gen: v7x
topology: tpu7x:2x2x1
jax: 0.10.2.dev20260603
libtpu: 0.0.44.dev20260713+nightly
codegen_flags: <defaults>
</compile_context>

<pallas_src>
import functools
import math

import jax
import jax.numpy as jnp
from jax import lax
from jax.experimental import pallas as pl
from jax.experimental.pallas import tpu as pltpu
from jax.experimental.pallas import tpu_sc as plsc

_N_NODES = 10000
_N_EDGES = 320000
_DIM = 32
_NG = 256
_NCLS = 2
_INV_BN = 1.0 / math.sqrt(1.0 + 1e-5)

_NC, _NS, _NW = 2, 16, 32
_K = 128
_CH = -(-_N_EDGES // (_NW * _K))
_EPT = _CH * _K
_ZPT = -(-(_N_NODES + 1) // (_NS * 8)) * 8
_ZROWS = _ZPT * _NS


def _make_agg():
    mesh = plsc.VectorSubcoreMesh(core_axis_name="c", subcore_axis_name="s")

    @functools.partial(
        pl.kernel,
        mesh=mesh,
        compiler_params=pltpu.CompilerParams(use_tc_tiling_on_sc=False),
        out_type=jax.ShapeDtypeStruct((_NC, _ZROWS, _DIM), jnp.float32),
        scratch_types=[
            pltpu.VMEM((_CH, _K), jnp.int32),
            pltpu.VMEM((_CH, _K), jnp.int32),
            pltpu.VMEM((_K, _DIM), jnp.float32),
            pltpu.VMEM_SHARED((_ZROWS, _DIM), jnp.float32),
            pltpu.SemaphoreType.DMA,
        ],
    )
    def _agg(src_hbm, dst_hbm, u_hbm, zeros_hbm, out_hbm,
             src_v, dst_v, rows_v, acc_sh, sem):
        cid = lax.axis_index("c")
        sid = lax.axis_index("s")
        wid = cid * _NS + sid
        pltpu.sync_copy(zeros_hbm.at[pl.ds(sid * _ZPT, _ZPT)],
                        acc_sh.at[pl.ds(sid * _ZPT, _ZPT)])
        pltpu.sync_copy(src_hbm.at[wid], src_v)
        pltpu.sync_copy(dst_hbm.at[wid], dst_v)
        plsc.subcore_barrier()

        def body(j, carry):
            pltpu.async_copy(u_hbm.at[src_v.at[j]], rows_v, sem).wait()
            pltpu.sync_copy(rows_v, acc_sh.at[dst_v.at[j]], add=True)
            return carry

        lax.fori_loop(0, _CH, body, 0)
        plsc.subcore_barrier()
        pltpu.sync_copy(acc_sh.at[pl.ds(sid * _ZPT, _ZPT)],
                        out_hbm.at[cid, pl.ds(sid * _ZPT, _ZPT)])

    return _agg


@functools.cache
def _agg_call():
    return _make_agg()


def _mm0_body(x_ref, w_ref, o_ref):
    o_ref[...] = jnp.dot(x_ref[...], w_ref[...],
                         preferred_element_type=jnp.float32)


def _stage_body(u_ref, p_ref, b1_ref, w2_ref, b2_ref, g_ref, bb_ref,
                w1n_ref, o_ref):
    p = (p_ref[0] + p_ref[1])[:_N_NODES]
    z = jnp.maximum(u_ref[...] + p + b1_ref[...], 0.0)
    z = jnp.dot(z, w2_ref[...], preferred_element_type=jnp.float32) + b2_ref[...]
    h = jnp.maximum(z, 0.0) * (g_ref[...] * _INV_BN) + bb_ref[...]
    o_ref[...] = jnp.dot(h, w1n_ref[...], preferred_element_type=jnp.float32)


def _final_body(u_ref, p_ref, b1_ref, w2_ref, b2_ref, g_ref, bb_ref,
                batch_ref, f1w_ref, f1b_ref, f2w_ref, f2b_ref, o_ref):
    p = (p_ref[0] + p_ref[1])[:_N_NODES]
    z = jnp.maximum(u_ref[...] + p + b1_ref[...], 0.0)
    z = jnp.dot(z, w2_ref[...], preferred_element_type=jnp.float32) + b2_ref[...]
    h = jnp.maximum(z, 0.0) * (g_ref[...] * _INV_BN) + bb_ref[...]
    seg = lax.broadcasted_iota(jnp.int32, (_NG, _N_NODES), 0)
    m = (seg == batch_ref[...]).astype(jnp.float32)
    pooled = jnp.dot(m, h, preferred_element_type=jnp.float32)
    g1 = jnp.maximum(
        jnp.dot(pooled, f1w_ref[...], preferred_element_type=jnp.float32)
        + f1b_ref[...], 0.0)
    logits = (jnp.dot(g1, f2w_ref[...], preferred_element_type=jnp.float32)
              + f2b_ref[...])
    mx = jnp.max(logits, axis=-1, keepdims=True)
    lse = mx + jnp.log(jnp.sum(jnp.exp(logits - mx), axis=-1, keepdims=True))
    o_ref[...] = logits - lse


def _shape(s):
    return jax.ShapeDtypeStruct(s, jnp.float32)


def kernel(x, edge_index, batch, params):
    src = edge_index[0]
    dst = edge_index[1]
    pad = _EPT * _NW - _N_EDGES
    src_p = jnp.concatenate(
        [src, jnp.zeros((pad,), jnp.int32)]).reshape(_NW, _CH, _K)
    dst_p = jnp.concatenate(
        [dst, jnp.full((pad,), _N_NODES, jnp.int32)]).reshape(_NW, _CH, _K)
    zeros = jnp.zeros((_ZROWS, _DIM), jnp.float32)
    b2d = lambda v: v.reshape(1, -1)
    batch2d = batch.reshape(1, _N_NODES)

    u = pl.pallas_call(_mm0_body, out_shape=_shape((_N_NODES, _DIM)))(
        x, params['W1_0'])
    for i in range(4):
        p = _agg_call()(src_p, dst_p, u, zeros)
        u = pl.pallas_call(_stage_body, out_shape=_shape((_N_NODES, _DIM)))(
            u, p, b2d(params['b1_%d' % i]), params['W2_%d' % i],
            b2d(params['b2_%d' % i]), b2d(params['bn_g_%d' % i]),
            b2d(params['bn_b_%d' % i]), params['W1_%d' % (i + 1)])
    p = _agg_call()(src_p, dst_p, u, zeros)
    out = pl.pallas_call(_final_body, out_shape=_shape((_NG, _NCLS)))(
        u, p, b2d(params['b1_4']), params['W2_4'], b2d(params['b2_4']),
        b2d(params['bn_g_4']), b2d(params['bn_b_4']), batch2d,
        params['fc1_W'], b2d(params['fc1_b']), params['fc2_W'],
        b2d(params['fc2_b']))
    return out

# --- scband reference (transcript-rebuilt; emitter-appended) ---
"""Pipeline reference for scband-ginnet-41120016892603 (READ-ONLY COPY).

The authoritative reference and input builder live on the scoring server;
editing this copy changes nothing except your own understanding.
"""

import jax, jax.numpy as jnp
import numpy as np

N_NODES = 10000
N_EDGES = 320000
NUM_FEATURES = 128
DIM = 32
NUM_CLASSES = 2
NUM_GRAPHS = 256
BN_EPS = 1e-5


def setup_inputs(seed: int = 0) -> dict:
    key = jax.random.key(seed)
    ks = jax.random.split(key, 64)
    x = jax.random.normal(ks[0], (N_NODES, NUM_FEATURES), dtype=jnp.float32)
    edge_index = jax.random.randint(ks[1], (2, N_EDGES), 0, N_NODES, dtype=jnp.int32)
    batch = jnp.sort(jax.random.randint(ks[2], (N_NODES,), 0, NUM_GRAPHS, dtype=jnp.int32))
    params = {}
    in_dim = NUM_FEATURES
    ki = 3
    for i in range(5):
        params['W1_%d' % i] = jax.random.normal(ks[ki], (in_dim, DIM), dtype=jnp.float32) * (1.0 / np.sqrt(in_dim)); ki += 1
        params['b1_%d' % i] = jnp.zeros((DIM,), dtype=jnp.float32)
        params['W2_%d' % i] = jax.random.normal(ks[ki], (DIM, DIM), dtype=jnp.float32) * (1.0 / np.sqrt(DIM)); ki += 1
        params['b2_%d' % i] = jnp.zeros((DIM,), dtype=jnp.float32)
        params['bn_g_%d' % i] = jnp.ones((DIM,), dtype=jnp.float32)
        params['bn_b_%d' % i] = jnp.zeros((DIM,), dtype=jnp.float32)
        in_dim = DIM
    params['fc1_W'] = jax.random.normal(ks[ki], (DIM, DIM), dtype=jnp.float32) * (1.0 / np.sqrt(DIM)); ki += 1
    params['fc1_b'] = jnp.zeros((DIM,), dtype=jnp.float32)
    params['fc2_W'] = jax.random.normal(ks[ki], (DIM, NUM_CLASSES), dtype=jnp.float32) * (1.0 / np.sqrt(DIM)); ki += 1
    params['fc2_b'] = jnp.zeros((NUM_CLASSES,), dtype=jnp.float32)
    return {'x': x, 'edge_index': edge_index, 'batch': batch, 'params': params}


def _forward(x, params, edge_index, batch):
    src = edge_index[0]
    dst = edge_index[1]
    h = x
    for i in range(5):
        # GINConv with eps=0: nn((1+eps)*x + sum_{j in N(i)} x_j)
        agg = jnp.zeros_like(h).at[dst].add(h[src])
        z = h + agg
        z = jnp.maximum(z @ params['W1_%d' % i] + params['b1_%d' % i], 0.0)
        z = z @ params['W2_%d' % i] + params['b2_%d' % i]
        h = jnp.maximum(z, 0.0)
        # BatchNorm1d in eval mode: running_mean=0, running_var=1
        h = (h / jnp.sqrt(1.0 + BN_EPS)) * params['bn_g_%d' % i] + params['bn_b_%d' % i]
    pooled = jax.ops.segment_sum(h, batch, num_segments=NUM_GRAPHS)
    g = jnp.maximum(pooled @ params['fc1_W'] + params['fc1_b'], 0.0)
    # dropout p=0.5 is identity in eval mode; pretr=False branch -> fc2 + log_softmax
    logits = g @ params['fc2_W'] + params['fc2_b']
    return jax.nn.log_softmax(logits, axis=-1)


def reference(x, edge_index, batch, params):
    return _forward(x, params, edge_index, batch)

if __name__ == "__main__":
    import jax
    _d = setup_inputs()
    print(jax.jit(kernel)(*tuple(_d.values())))

</pallas_src>

<mosaic_0001>
#map = affine_map<(d0, d1) -> (0, 0, 0)>
#map1 = affine_map<(d0, d1) -> (0, 0)>
module attributes {stable_mosaic.version = 14 : i64} {
  func.func @_agg(%arg0: i32, %arg1: i32, %arg2: memref<32x79x128xi32, #tpu.memory_space<hbm>>, %arg3: memref<32x79x128xi32, #tpu.memory_space<hbm>>, %arg4: memref<10000x32xf32, #tpu.memory_space<hbm>>, %arg5: memref<10112x32xf32, #tpu.memory_space<hbm>>, %arg6: memref<2x10112x32xf32, #tpu.memory_space<hbm>>, %arg7: memref<79x128xi32, #tpu.memory_space<vmem>>, %arg8: memref<79x128xi32, #tpu.memory_space<vmem>>, %arg9: memref<128x32xf32, #tpu.memory_space<vmem>>, %arg10: memref<10112x32xf32, #tpu.memory_space<vmem_shared>>, %arg11: memref<!tpu.dma_semaphore, #tpu.memory_space<semaphore_mem>>) attributes {dimension_semantics = [#tpu.dimension_semantics<core_parallel>, #tpu.dimension_semantics<subcore_parallel>], iteration_bounds = array<i64: 2, 16>, scalar_prefetch = 0 : i64, scratch_operands = 5 : i64, tpu.core_type = #tpu.core_type<sc_vector_subcore>, window_params = [{transform_indices = #map}, {transform_indices = #map}, {transform_indices = #map1}, {transform_indices = #map1}, {transform_indices = #map}]} {
    %mul3A = arith.constant 16 : i32
    %mul3A_0 = arith.muli %arg0, %mul3A : i32
    %add3A = arith.addi %mul3A_0, %arg1 : i32
    %mul3A_1 = arith.constant 632 : i32
    %mul3A_2 = arith.muli %arg1, %mul3A_1 : i32
    %mul3A_3 = arith.constant 632 : i32
    %mul3A_4 = arith.muli %arg1, %mul3A_3 : i32
    "tpu.region"() ({
      %run_scoped3A = tpu.sem_alloc : memref<!tpu.dma_semaphore, #tpu.memory_space<semaphore_mem>>
      %dma_start3A = arith.constant 0 : i32
      %dma_start3A_15 = tpu.memref_slice %arg10[%mul3A_4, %dma_start3A] : memref<10112x32xf32, #tpu.memory_space<vmem_shared>> -> memref<632x32xf32, #tpu.memory_space<vmem_shared>>
      %dma_start3A_16 = arith.constant 0 : i32
      %dma_start3A_17 = tpu.memref_slice %arg5[%mul3A_2, %dma_start3A_16] : memref<10112x32xf32, #tpu.memory_space<hbm>> -> memref<632x32xf32, #tpu.memory_space<hbm>>
      tpu.enqueue_dma source(%dma_start3A_17 : memref<632x32xf32, #tpu.memory_space<hbm>>) target(%dma_start3A_15 : memref<632x32xf32, #tpu.memory_space<vmem_shared>>) target_semaphore(%run_scoped3A : memref<!tpu.dma_semaphore, #tpu.memory_space<semaphore_mem>>)
      %dma_wait3A = arith.constant 0 : i32
      %dma_wait3A_18 = tpu.memref_slice %arg10[%mul3A_4, %dma_wait3A] : memref<10112x32xf32, #tpu.memory_space<vmem_shared>> -> memref<632x32xf32, #tpu.memory_space<vmem_shared>>
      %dma_wait3A_19 = arith.constant 0 : i32
      %dma_wait3A_20 = tpu.memref_slice %arg5[%mul3A_2, %dma_wait3A_19] : memref<10112x32xf32, #tpu.memory_space<hbm>> -> memref<632x32xf32, #tpu.memory_space<hbm>>
      tpu.wait_dma2 semaphore(%run_scoped3A : memref<!tpu.dma_semaphore, #tpu.memory_space<semaphore_mem>>) src(%dma_wait3A_20 : memref<632x32xf32, #tpu.memory_space<hbm>>) dst(%dma_wait3A_18 : memref<632x32xf32, #tpu.memory_space<vmem_shared>>)
      tpu.yield
    }) : () -> ()
    "tpu.region"() ({
      %run_scoped3A = tpu.sem_alloc : memref<!tpu.dma_semaphore, #tpu.memory_space<semaphore_mem>>
      %dma_start3A = arith.constant 0 : i32
      %dma_start3A_15 = arith.constant 0 : i32
      %dma_start3A_16 = tpu.memref_slice %arg2[%add3A, %dma_start3A, %dma_start3A_15] : memref<32x79x128xi32, #tpu.memory_space<hbm>> -> memref<1x79x128xi32, #tpu.memory_space<hbm>>
      %dma_start3A_17 = tpu.memref_squeeze %dma_start3A_16 : memref<1x79x128xi32, #tpu.memory_space<hbm>> -> memref<79x128xi32, #tpu.memory_space<hbm>>
      %dma_start3A_18 = arith.constant 0 : i32
      %dma_start3A_19 = arith.constant 0 : i32
      %dma_start3A_20 = tpu.memref_slice %arg2[%add3A, %dma_start3A_18, %dma_start3A_19] : memref<32x79x128xi32, #tpu.memory_space<hbm>> -> memref<1x79x128xi32, #tpu.memory_space<hbm>>
      %dma_start3A_21 = tpu.memref_squeeze %dma_start3A_20 : memref<1x79x128xi32, #tpu.memory_space<hbm>> -> memref<79x128xi32, #tpu.memory_space<hbm>>
      tpu.enqueue_dma source(%dma_start3A_21 : memref<79x128xi32, #tpu.memory_space<hbm>>) target(%arg7 : memref<79x128xi32, #tpu.memory_space<vmem>>) target_semaphore(%run_scoped3A : memref<!tpu.dma_semaphore, #tpu.memory_space<semaphore_mem>>)
      %dma_wait3A = arith.constant 0 : i32
      %dma_wait3A_22 = arith.constant 0 : i32
      %dma_wait3A_23 = tpu.memref_slice %arg2[%add3A, %dma_wait3A, %dma_wait3A_22] : memref<32x79x128xi32, #tpu.memory_space<hbm>> -> memref<1x79x128xi32, #tpu.memory_space<hbm>>
      %dma_wait3A_24 = tpu.memref_squeeze %dma_wait3A_23 : memref<1x79x128xi32, #tpu.memory_space<hbm>> -> memref<79x128xi32, #tpu.memory_space<hbm>>
      %dma_wait3A_25 = arith.constant 0 : i32
      %dma_wait3A_26 = arith.constant 0 : i32
      %dma_wait3A_27 = tpu.memref_slice %arg2[%add3A, %dma_wait3A_25, %dma_wait3A_26] : memref<32x79x128xi32, #tpu.memory_space<hbm>> -> memref<1x79x128xi32, #tpu.memory_space<hbm>>
      %dma_wait3A_28 = tpu.memref_squeeze %dma_wait3A_27 : memref<1x79x128xi32, #tpu.memory_space<hbm>> -> memref<79x128xi32, #tpu.memory_space<hbm>>
      tpu.wait_dma2 semaphore(%run_scoped3A : memref<!tpu.dma_semaphore, #tpu.memory_space<semaphore_mem>>) src(%dma_wait3A_28 : memref<79x128xi32, #tpu.memory_space<hbm>>) dst(%arg7 : memref<79x128xi32, #tpu.memory_space<vmem>>)
      tpu.yield
    }) : () -> ()
    "tpu.region"() ({
      %run_scoped3A = tpu.sem_alloc : memref<!tpu.dma_semaphore, #tpu.memory_space<semaphore_mem>>
      %dma_start3A = arith.constant 0 : i32
      %dma_start3A_15 = arith.constant 0 : i32
      %dma_start3A_16 = tpu.memref_slice %arg3[%add3A, %dma_start3A, %dma_start3A_15] : memref<32x79x128xi32, #tpu.memory_space<hbm>> -> memref<1x79x128xi32, #tpu.memory_space<hbm>>
      %dma_start3A_17 = tpu.memref_squeeze %dma_start3A_16 : memref<1x79x128xi32, #tpu.memory_space<hbm>> -> memref<79x128xi32, #tpu.memory_space<hbm>>
      %dma_start3A_18 = arith.constant 0 : i32
      %dma_start3A_19 = arith.constant 0 : i32
      %dma_start3A_20 = tpu.memref_slice %arg3[%add3A, %dma_start3A_18, %dma_start3A_19] : memref<32x79x128xi32, #tpu.memory_space<hbm>> -> memref<1x79x128xi32, #tpu.memory_space<hbm>>
      %dma_start3A_21 = tpu.memref_squeeze %dma_start3A_20 : memref<1x79x128xi32, #tpu.memory_space<hbm>> -> memref<79x128xi32, #tpu.memory_space<hbm>>
      tpu.enqueue_dma source(%dma_start3A_21 : memref<79x128xi32, #tpu.memory_space<hbm>>) target(%arg8 : memref<79x128xi32, #tpu.memory_space<vmem>>) target_semaphore(%run_scoped3A : memref<!tpu.dma_semaphore, #tpu.memory_space<semaphore_mem>>)
      %dma_wait3A = arith.constant 0 : i32
      %dma_wait3A_22 = arith.constant 0 : i32
      %dma_wait3A_23 = tpu.memref_slice %arg3[%add3A, %dma_wait3A, %dma_wait3A_22] : memref<32x79x128xi32, #tpu.memory_space<hbm>> -> memref<1x79x128xi32, #tpu.memory_space<hbm>>
      %dma_wait3A_24 = tpu.memref_squeeze %dma_wait3A_23 : memref<1x79x128xi32, #tpu.memory_space<hbm>> -> memref<79x128xi32, #tpu.memory_space<hbm>>
      %dma_wait3A_25 = arith.constant 0 : i32
      %dma_wait3A_26 = arith.constant 0 : i32
      %dma_wait3A_27 = tpu.memref_slice %arg3[%add3A, %dma_wait3A_25, %dma_wait3A_26] : memref<32x79x128xi32, #tpu.memory_space<hbm>> -> memref<1x79x128xi32, #tpu.memory_space<hbm>>
      %dma_wait3A_28 = tpu.memref_squeeze %dma_wait3A_27 : memref<1x79x128xi32, #tpu.memory_space<hbm>> -> memref<79x128xi32, #tpu.memory_space<hbm>>
      tpu.wait_dma2 semaphore(%run_scoped3A : memref<!tpu.dma_semaphore, #tpu.memory_space<semaphore_mem>>) src(%dma_wait3A_28 : memref<79x128xi32, #tpu.memory_space<hbm>>) dst(%arg8 : memref<79x128xi32, #tpu.memory_space<vmem>>)
      tpu.yield
    }) : () -> ()
    %barrier3A = arith.constant 0 : index
    tpu.barrier barrier_id(%barrier3A)
    %scan3A = arith.constant 0 : i32
    %scan3A_5 = arith.constant 0 : i32
    %scan3A_6 = arith.constant 79 : i32
    %scan3A_7 = arith.addi %scan3A_5, %scan3A_6 : i32
    %scan3A_8 = arith.constant 1 : i32
    scf.for %scan3A_15 = %scan3A_5 to %scan3A_7 step %scan3A_8  : i32 {
      %dma_start3A = arith.constant 0 : i32
      %dma_start3A_16 = tpu.memref_slice %arg7[%scan3A_15, %dma_start3A] : memref<79x128xi32, #tpu.memory_space<vmem>> -> memref<1x128xi32, #tpu.memory_space<vmem>>
      %dma_start3A_17 = tpu.memref_squeeze %dma_start3A_16 : memref<1x128xi32, #tpu.memory_space<vmem>> -> memref<128xi32, #tpu.memory_space<vmem>>
      %dma_start3A_18 = arith.constant 0 : i32
      %dma_start3A_19 = arith.constant 0 : i32
      %dma_start3A_20 = tpu.memref_slice %arg4[%dma_start3A_18, %dma_start3A_19] : memref<10000x32xf32, #tpu.memory_space<hbm>> -> memref<10000x32xf32, #tpu.memory_space<hbm>>
      tpu.enqueue_indirect_dma source(%dma_start3A_20 : memref<10000x32xf32, #tpu.memory_space<hbm>>) target(%arg9 : memref<128x32xf32, #tpu.memory_space<vmem>>) offsets(%dma_start3A_17 : memref<128xi32, #tpu.memory_space<vmem>>) semaphore(%arg11 : memref<!tpu.dma_semaphore, #tpu.memory_space<semaphore_mem>>)
      %dma_wait3A = arith.constant 0 : i32
      %dma_wait3A_21 = tpu.memref_slice %arg7[%scan3A_15, %dma_wait3A] : memref<79x128xi32, #tpu.memory_space<vmem>> -> memref<1x128xi32, #tpu.memory_space<vmem>>
      %dma_wait3A_22 = tpu.memref_squeeze %dma_wait3A_21 : memref<1x128xi32, #tpu.memory_space<vmem>> -> memref<128xi32, #tpu.memory_space<vmem>>
      %dma_wait3A_23 = arith.constant 0 : i32
      %dma_wait3A_24 = arith.constant 0 : i32
      %dma_wait3A_25 = tpu.memref_slice %arg4[%dma_wait3A_23, %dma_wait3A_24] : memref<10000x32xf32, #tpu.memory_space<hbm>> -> memref<10000x32xf32, #tpu.memory_space<hbm>>
      tpu.wait_indirect_dma semaphore(%arg11 : memref<!tpu.dma_semaphore, #tpu.memory_space<semaphore_mem>>) src(%dma_wait3A_25 : memref<10000x32xf32, #tpu.memory_space<hbm>>) dst(%arg9 : memref<128x32xf32, #tpu.memory_space<vmem>>)
      "tpu.region"() ({
        %run_scoped3A = tpu.sem_alloc : memref<!tpu.dma_semaphore, #tpu.memory_space<semaphore_mem>>
        %dma_start3A_26 = arith.constant 0 : i32
        %dma_start3A_27 = tpu.memref_slice %arg8[%scan3A_15, %dma_start3A_26] : memref<79x128xi32, #tpu.memory_space<vmem>> -> memref<1x128xi32, #tpu.memory_space<vmem>>
        %dma_start3A_28 = tpu.memref_squeeze %dma_start3A_27 : memref<1x128xi32, #tpu.memory_space<vmem>> -> memref<128xi32, #tpu.memory_space<vmem>>
        %dma_start3A_29 = arith.constant 0 : i32
        %dma_start3A_30 = arith.constant 0 : i32
        %dma_start3A_31 = tpu.memref_slice %arg10[%dma_start3A_29, %dma_start3A_30] : memref<10112x32xf32, #tpu.memory_space<vmem_shared>> -> memref<10112x32xf32, #tpu.memory_space<vmem_shared>>
        tpu.enqueue_indirect_dma source(%arg9 : memref<128x32xf32, #tpu.memory_space<vmem>>) target(%dma_start3A_31 : memref<10112x32xf32, #tpu.memory_space<vmem_shared>>) offsets(%dma_start3A_28 : memref<128xi32, #tpu.memory_space<vmem>>) semaphore(%run_scoped3A : memref<!tpu.dma_semaphore, #tpu.memory_space<semaphore_mem>>) {add = true}
        %dma_wait3A_32 = arith.constant 0 : i32
        %dma_wait3A_33 = tpu.memref_slice %arg8[%scan3A_15, %dma_wait3A_32] : memref<79x128xi32, #tpu.memory_space<vmem>> -> memref<1x128xi32, #tpu.memory_space<vmem>>
        %dma_wait3A_34 = tpu.memref_squeeze %dma_wait3A_33 : memref<1x128xi32, #tpu.memory_space<vmem>> -> memref<128xi32, #tpu.memory_space<vmem>>
        %dma_wait3A_35 = arith.constant 0 : i32
        %dma_wait3A_36 = arith.constant 0 : i32
        %dma_wait3A_37 = tpu.memref_slice %arg10[%dma_wait3A_35, %dma_wait3A_36] : memref<10112x32xf32, #tpu.memory_space<vmem_shared>> -> memref<10112x32xf32, #tpu.memory_space<vmem_shared>>
        tpu.wait_indirect_dma semaphore(%run_scoped3A : memref<!tpu.dma_semaphore, #tpu.memory_space<semaphore_mem>>) src(%arg9 : memref<128x32xf32, #tpu.memory_space<vmem>>) dst(%dma_wait3A_37 : memref<10112x32xf32, #tpu.memory_space<vmem_shared>>)
        tpu.yield
      }) : () -> ()
    }
    %scan3A_9 = arith.constant 79 : i32
    %barrier3A_10 = arith.constant 0 : index
    tpu.barrier barrier_id(%barrier3A_10)
    %mul3A_11 = arith.constant 632 : i32
    %mul3A_12 = arith.muli %arg1, %mul3A_11 : i32
    %mul3A_13 = arith.constant 632 : i32
    %mul3A_14 = arith.muli %arg1, %mul3A_13 : i32
    "tpu.region"() ({
      %run_scoped3A = tpu.sem_alloc : memref<!tpu.dma_semaphore, #tpu.memory_space<semaphore_mem>>
      %dma_start3A = arith.constant 0 : i32
      %dma_start3A_15 = tpu.memref_slice %arg6[%arg0, %mul3A_14, %dma_start3A] : memref<2x10112x32xf32, #tpu.memory_space<hbm>> -> memref<1x632x32xf32, #tpu.memory_space<hbm>>
      %dma_start3A_16 = tpu.memref_squeeze %dma_start3A_15 : memref<1x632x32xf32, #tpu.memory_space<hbm>> -> memref<632x32xf32, #tpu.memory_space<hbm>>
      %dma_start3A_17 = arith.constant 0 : i32
      %dma_start3A_18 = tpu.memref_slice %arg10[%mul3A_12, %dma_start3A_17] : memref<10112x32xf32, #tpu.memory_space<vmem_shared>> -> memref<632x32xf32, #tpu.memory_space<vmem_shared>>
      tpu.enqueue_dma source(%dma_start3A_18 : memref<632x32xf32, #tpu.memory_space<vmem_shared>>) target(%dma_start3A_16 : memref<632x32xf32, #tpu.memory_space<hbm>>) target_semaphore(%run_scoped3A : memref<!tpu.dma_semaphore, #tpu.memory_space<semaphore_mem>>)
      %dma_wait3A = arith.constant 0 : i32
      %dma_wait3A_19 = tpu.memref_slice %arg6[%arg0, %mul3A_14, %dma_wait3A] : memref<2x10112x32xf32, #tpu.memory_space<hbm>> -> memref<1x632x32xf32, #tpu.memory_space<hbm>>
      %dma_wait3A_20 = tpu.memref_squeeze %dma_wait3A_19 : memref<1x632x32xf32, #tpu.memory_space<hbm>> -> memref<632x32xf32, #tpu.memory_space<hbm>>
      %dma_wait3A_21 = arith.constant 0 : i32
      %dma_wait3A_22 = tpu.memref_slice %arg10[%mul3A_12, %dma_wait3A_21] : memref<10112x32xf32, #tpu.memory_space<vmem_shared>> -> memref<632x32xf32, #tpu.memory_space<vmem_shared>>
      tpu.wait_dma2 semaphore(%run_scoped3A : memref<!tpu.dma_semaphore, #tpu.memory_space<semaphore_mem>>) src(%dma_wait3A_22 : memref<632x32xf32, #tpu.memory_space<vmem_shared>>) dst(%dma_wait3A_20 : memref<632x32xf32, #tpu.memory_space<hbm>>)
      tpu.yield
    }) : () -> ()
    return
  }
}

#map = affine_map<(d0, d1) -> (0, 0, 0)>
#map1 = affine_map<(d0, d1) -> (0, 0)>
module attributes {stable_mosaic.version = 14 : i64} {
  func.func @_agg(%arg0: i32, %arg1: i32, %arg2: memref<32x79x128xi32, #tpu.memory_space<hbm>>, %arg3: memref<32x79x128xi32, #tpu.memory_space<hbm>>, %arg4: memref<10000x32xf32, #tpu.memory_space<hbm>>, %arg5: memref<10112x32xf32, #tpu.memory_space<hbm>>, %arg6: memref<2x10112x32xf32, #tpu.memory_space<hbm>>, %arg7: memref<79x128xi32, #tpu.memory_space<vmem>>, %arg8: memref<79x128xi32, #tpu.memory_space<vmem>>, %arg9: memref<128x32xf32, #tpu.memory_space<vmem>>, %arg10: memref<10112x32xf32, #tpu.memory_space<vmem_shared>>, %arg11: memref<!tpu.dma_semaphore, #tpu.memory_space<semaphore_mem>>) attributes {dimension_semantics = [#tpu.dimension_semantics<core_parallel>, #tpu.dimension_semantics<subcore_parallel>], iteration_bounds = array<i64: 2, 16>, scalar_prefetch = 0 : i64, scratch_operands = 5 : i64, tpu.core_type = #tpu.core_type<sc_vector_subcore>, window_params = [{transform_indices = #map}, {transform_indices = #map}, {transform_indices = #map1}, {transform_indices = #map1}, {transform_indices = #map}]} {
    %mul3A = arith.constant 16 : i32
    %mul3A_0 = arith.muli %arg0, %mul3A : i32
    %add3A = arith.addi %mul3A_0, %arg1 : i32
    %mul3A_1 = arith.constant 632 : i32
    %mul3A_2 = arith.muli %arg1, %mul3A_1 : i32
    %mul3A_3 = arith.constant 632 : i32
    %mul3A_4 = arith.muli %arg1, %mul3A_3 : i32
    "tpu.region"() ({
      %run_scoped3A = tpu.sem_alloc : memref<!tpu.dma_semaphore, #tpu.memory_space<semaphore_mem>>
      %dma_start3A = arith.constant 0 : i32
      %dma_start3A_15 = tpu.memref_slice %arg10[%mul3A_4, %dma_start3A] : memref<10112x32xf32, #tpu.memory_space<vmem_shared>> -> memref<632x32xf32, #tpu.memory_space<vmem_shared>>
      %dma_start3A_16 = arith.constant 0 : i32
      %dma_start3A_17 = tpu.memref_slice %arg5[%mul3A_2, %dma_start3A_16] : memref<10112x32xf32, #tpu.memory_space<hbm>> -> memref<632x32xf32, #tpu.memory_space<hbm>>
      tpu.enqueue_dma source(%dma_start3A_17 : memref<632x32xf32, #tpu.memory_space<hbm>>) target(%dma_start3A_15 : memref<632x32xf32, #tpu.memory_space<vmem_shared>>) target_semaphore(%run_scoped3A : memref<!tpu.dma_semaphore, #tpu.memory_space<semaphore_mem>>)
      %dma_wait3A = arith.constant 0 : i32
      %dma_wait3A_18 = tpu.memref_slice %arg10[%mul3A_4, %dma_wait3A] : memref<10112x32xf32, #tpu.memory_space<vmem_shared>> -> memref<632x32xf32, #tpu.memory_space<vmem_shared>>
      %dma_wait3A_19 = arith.constant 0 : i32
      %dma_wait3A_20 = tpu.memref_slice %arg5[%mul3A_2, %dma_wait3A_19] : memref<10112x32xf32, #tpu.memory_space<hbm>> -> memref<632x32xf32, #tpu.memory_space<hbm>>
      tpu.wait_dma2 semaphore(%run_scoped3A : memref<!tpu.dma_semaphore, #tpu.memory_space<semaphore_mem>>) src(%dma_wait3A_20 : memref<632x32xf32, #tpu.memory_space<hbm>>) dst(%dma_wait3A_18 : memref<632x32xf32, #tpu.memory_space<vmem_shared>>)
      tpu.yield
    }) : () -> ()
    "tpu.region"() ({
      %run_scoped3A = tpu.sem_alloc : memref<!tpu.dma_semaphore, #tpu.memory_space<semaphore_mem>>
      %dma_start3A = arith.constant 0 : i32
      %dma_start3A_15 = arith.constant 0 : i32
      %dma_start3A_16 = tpu.memref_slice %arg2[%add3A, %dma_start3A, %dma_start3A_15] : memref<32x79x128xi32, #tpu.memory_space<hbm>> -> memref<1x79x128xi32, #tpu.memory_space<hbm>>
      %dma_start3A_17 = tpu.memref_squeeze %dma_start3A_16 : memref<1x79x128xi32, #tpu.memory_space<hbm>> -> memref<79x128xi32, #tpu.memory_space<hbm>>
      %dma_start3A_18 = arith.constant 0 : i32
      %dma_start3A_19 = arith.constant 0 : i32
      %dma_start3A_20 = tpu.memref_slice %arg2[%add3A, %dma_start3A_18, %dma_start3A_19] : memref<32x79x128xi32, #tpu.memory_space<hbm>> -> memref<1x79x128xi32, #tpu.memory_space<hbm>>
      %dma_start3A_21 = tpu.memref_squeeze %dma_start3A_20 : memref<1x79x128xi32, #tpu.memory_space<hbm>> -> memref<79x128xi32, #tpu.memory_space<hbm>>
      tpu.enqueue_dma source(%dma_start3A_21 : memref<79x128xi32, #tpu.memory_space<hbm>>) target(%arg7 : memref<79x128xi32, #tpu.memory_space<vmem>>) target_semaphore(%run_scoped3A : memref<!tpu.dma_semaphore, #tpu.memory_space<semaphore_mem>>)
      %dma_wait3A = arith.constant 0 : i32
      %dma_wait3A_22 = arith.constant 0 : i32
      %dma_wait3A_23 = tpu.memref_slice %arg2[%add3A, %dma_wait3A, %dma_wait3A_22] : memref<32x79x128xi32, #tpu.memory_space<hbm>> -> memref<1x79x128xi32, #tpu.memory_space<hbm>>
      %dma_wait3A_24 = tpu.memref_squeeze %dma_wait3A_23 : memref<1x79x128xi32, #tpu.memory_space<hbm>> -> memref<79x128xi32, #tpu.memory_space<hbm>>
      %dma_wait3A_25 = arith.constant 0 : i32
      %dma_wait3A_26 = arith.constant 0 : i32
      %dma_wait3A_27 = tpu.memref_slice %arg2[%add3A, %dma_wait3A_25, %dma_wait3A_26] : memref<32x79x128xi32, #tpu.memory_space<hbm>> -> memref<1x79x128xi32, #tpu.memory_space<hbm>>
      %dma_wait3A_28 = tpu.memref_squeeze %dma_wait3A_27 : memref<1x79x128xi32, #tpu.memory_space<hbm>> -> memref<79x128xi32, #tpu.memory_space<hbm>>
      tpu.wait_dma2 semaphore(%run_scoped3A : memref<!tpu.dma_semaphore, #tpu.memory_space<semaphore_mem>>) src(%dma_wait3A_28 : memref<79x128xi32, #tpu.memory_space<hbm>>) dst(%arg7 : memref<79x128xi32, #tpu.memory_space<vmem>>)
      tpu.yield
    }) : () -> ()
    "tpu.region"() ({
      %run_scoped3A = tpu.sem_alloc : memref<!tpu.dma_semaphore, #tpu.memory_space<semaphore_mem>>
      %dma_start3A = arith.constant 0 : i32
      %dma_start3A_15 = arith.constant 0 : i32
      %dma_start3A_16 = tpu.memref_slice %arg3[%add3A, %dma_start3A, %dma_start3A_15] : memref<32x79x128xi32, #tpu.memory_space<hbm>> -> memref<1x79x128xi32, #tpu.memory_space<hbm>>
      %dma_start3A_17 = tpu.memref_squeeze %dma_start3A_16 : memref<1x79x128xi32, #tpu.memory_space<hbm>> -> memref<79x128xi32, #tpu.memory_space<hbm>>
      %dma_start3A_18 = arith.constant 0 : i32
      %dma_start3A_19 = arith.constant 0 : i32
      %dma_start3A_20 = tpu.memref_slice %arg3[%add3A, %dma_start3A_18, %dma_start3A_19] : memref<32x79x128xi32, #tpu.memory_space<hbm>> -> memref<1x79x128xi32, #tpu.memory_space<hbm>>
      %dma_start3A_21 = tpu.memref_squeeze %dma_start3A_20 : memref<1x79x128xi32, #tpu.memory_space<hbm>> -> memref<79x128xi32, #tpu.memory_space<hbm>>
      tpu.enqueue_dma source(%dma_start3A_21 : memref<79x128xi32, #tpu.memory_space<hbm>>) target(%arg8 : memref<79x128xi32, #tpu.memory_space<vmem>>) target_semaphore(%run_scoped3A : memref<!tpu.dma_semaphore, #tpu.memory_space<semaphore_mem>>)
      %dma_wait3A = arith.constant 0 : i32
      %dma_wait3A_22 = arith.constant 0 : i32
      %dma_wait3A_23 = tpu.memref_slice %arg3[%add3A, %dma_wait3A, %dma_wait3A_22] : memref<32x79x128xi32, #tpu.memory_space<hbm>> -> memref<1x79x128xi32, #tpu.memory_space<hbm>>
      %dma_wait3A_24 = tpu.memref_squeeze %dma_wait3A_23 : memref<1x79x128xi32, #tpu.memory_space<hbm>> -> memref<79x128xi32, #tpu.memory_space<hbm>>
      %dma_wait3A_25 = arith.constant 0 : i32
      %dma_wait3A_26 = arith.constant 0 : i32
      %dma_wait3A_27 = tpu.memref_slice %arg3[%add3A, %dma_wait3A_25, %dma_wait3A_26] : memref<32x79x128xi32, #tpu.memory_space<hbm>> -> memref<1x79x128xi32, #tpu.memory_space<hbm>>
      %dma_wait3A_28 = tpu.memref_squeeze %dma_wait3A_27 : memref<1x79x128xi32, #tpu.memory_space<hbm>> -> memref<79x128xi32, #tpu.memory_space<hbm>>
      tpu.wait_dma2 semaphore(%run_scoped3A : memref<!tpu.dma_semaphore, #tpu.memory_space<semaphore_mem>>) src(%dma_wait3A_28 : memref<79x128xi32, #tpu.memory_space<hbm>>) dst(%arg8 : memref<79x128xi32, #tpu.memory_space<vmem>>)
      tpu.yield
    }) : () -> ()
    %barrier3A = arith.constant 0 : index
    tpu.barrier barrier_id(%barrier3A)
    %scan3A = arith.constant 0 : i32
    %scan3A_5 = arith.constant 0 : i32
    %scan3A_6 = arith.constant 79 : i32
    %scan3A_7 = arith.addi %scan3A_5, %scan3A_6 : i32
    %scan3A_8 = arith.constant 1 : i32
    scf.for %scan3A_15 = %scan3A_5 to %scan3A_7 step %scan3A_8  : i32 {
      %dma_start3A = arith.constant 0 : i32
      %dma_start3A_16 = tpu.memref_slice %arg7[%scan3A_15, %dma_start3A] : memref<79x128xi32, #tpu.memory_space<vmem>> -> memref<1x128xi32, #tpu.memory_space<vmem>>
      %dma_start3A_17 = tpu.memref_squeeze %dma_start3A_16 : memref<1x128xi32, #tpu.memory_space<vmem>> -> memref<128xi32, #tpu.memory_space<vmem>>
      %dma_start3A_18 = arith.constant 0 : i32
      %dma_start3A_19 = arith.constant 0 : i32
      %dma_start3A_20 = tpu.memref_slice %arg4[%dma_start3A_18, %dma_start3A_19] : memref<10000x32xf32, #tpu.memory_space<hbm>> -> memref<10000x32xf32, #tpu.memory_space<hbm>>
      tpu.enqueue_indirect_dma source(%dma_start3A_20 : memref<10000x32xf32, #tpu.memory_space<hbm>>) target(%arg9 : memref<128x32xf32, #tpu.memory_space<vmem>>) offsets(%dma_start3A_17 : memref<128xi32, #tpu.memory_space<vmem>>) semaphore(%arg11 : memref<!tpu.dma_semaphore, #tpu.memory_space<semaphore_mem>>)
      %dma_wait3A = arith.constant 0 : i32
      %dma_wait3A_21 = tpu.memref_slice %arg7[%scan3A_15, %dma_wait3A] : memref<79x128xi32, #tpu.memory_space<vmem>> -> memref<1x128xi32, #tpu.memory_space<vmem>>
      %dma_wait3A_22 = tpu.memref_squeeze %dma_wait3A_21 : memref<1x128xi32, #tpu.memory_space<vmem>> -> memref<128xi32, #tpu.memory_space<vmem>>
      %dma_wait3A_23 = arith.constant 0 : i32
      %dma_wait3A_24 = arith.constant 0 : i32
      %dma_wait3A_25 = tpu.memref_slice %arg4[%dma_wait3A_23, %dma_wait3A_24] : memref<10000x32xf32, #tpu.memory_space<hbm>> -> memref<10000x32xf32, #tpu.memory_space<hbm>>
      tpu.wait_indirect_dma semaphore(%arg11 : memref<!tpu.dma_semaphore, #tpu.memory_space<semaphore_mem>>) src(%dma_wait3A_25 : memref<10000x32xf32, #tpu.memory_space<hbm>>) dst(%arg9 : memref<128x32xf32, #tpu.memory_space<vmem>>)
      "tpu.region"() ({
        %run_scoped3A = tpu.sem_alloc : memref<!tpu.dma_semaphore, #tpu.memory_space<semaphore_mem>>
        %dma_start3A_26 = arith.constant 0 : i32
        %dma_start3A_27 = tpu.memref_slice %arg8[%scan3A_15, %dma_start3A_26] : memref<79x128xi32, #tpu.memory_space<vmem>> -> memref<1x128xi32, #tpu.memory_space<vmem>>
        %dma_start3A_28 = tpu.memref_squeeze %dma_start3A_27 : memref<1x128xi32, #tpu.memory_space<vmem>> -> memref<128xi32, #tpu.memory_space<vmem>>
        %dma_start3A_29 = arith.constant 0 : i32
        %dma_start3A_30 = arith.constant 0 : i32
        %dma_start3A_31 = tpu.memref_slice %arg10[%dma_start3A_29, %dma_start3A_30] : memref<10112x32xf32, #tpu.memory_space<vmem_shared>> -> memref<10112x32xf32, #tpu.memory_space<vmem_shared>>
        tpu.enqueue_indirect_dma source(%arg9 : memref<128x32xf32, #tpu.memory_space<vmem>>) target(%dma_start3A_31 : memref<10112x32xf32, #tpu.memory_space<vmem_shared>>) offsets(%dma_start3A_28 : memref<128xi32, #tpu.memory_space<vmem>>) semaphore(%run_scoped3A : memref<!tpu.dma_semaphore, #tpu.memory_space<semaphore_mem>>) {add = true}
        %dma_wait3A_32 = arith.constant 0 : i32
        %dma_wait3A_33 = tpu.memref_slice %arg8[%scan3A_15, %dma_wait3A_32] : memref<79x128xi32, #tpu.memory_space<vmem>> -> memref<1x128xi32, #tpu.memory_space<vmem>>
        %dma_wait3A_34 = tpu.memref_squeeze %dma_wait3A_33 : memref<1x128xi32, #tpu.memory_space<vmem>> -> memref<128xi32, #tpu.memory_space<vmem>>
        %dma_wait3A_35 = arith.constant 0 : i32
        %dma_wait3A_36 = arith.constant 0 : i32
        %dma_wait3A_37 = tpu.memref_slice %arg10[%dma_wait3A_35, %dma_wait3A_36] : memref<10112x32xf32, #tpu.memory_space<vmem_shared>> -> memref<10112x32xf32, #tpu.memory_space<vmem_shared>>
        tpu.wait_indirect_dma semaphore(%run_scoped3A : memref<!tpu.dma_semaphore, #tpu.memory_space<semaphore_mem>>) src(%arg9 : memref<128x32xf32, #tpu.memory_space<vmem>>) dst(%dma_wait3A_37 : memref<10112x32xf32, #tpu.memory_space<vmem_shared>>)
        tpu.yield
      }) : () -> ()
    }
    %scan3A_9 = arith.constant 79 : i32
    %barrier3A_10 = arith.constant 0 : index
    tpu.barrier barrier_id(%barrier3A_10)
    %mul3A_11 = arith.constant 632 : i32
    %mul3A_12 = arith.muli %arg1, %mul3A_11 : i32
    %mul3A_13 = arith.constant 632 : i32
    %mul3A_14 = arith.muli %arg1, %mul3A_13 : i32
    "tpu.region"() ({
      %run_scoped3A = tpu.sem_alloc : memref<!tpu.dma_semaphore, #tpu.memory_space<semaphore_mem>>
      %dma_start3A = arith.constant 0 : i32
      %dma_start3A_15 = tpu.memref_slice %arg6[%arg0, %mul3A_14, %dma_start3A] : memref<2x10112x32xf32, #tpu.memory_space<hbm>> -> memref<1x632x32xf32, #tpu.memory_space<hbm>>
      %dma_start3A_16 = tpu.memref_squeeze %dma_start3A_15 : memref<1x632x32xf32, #tpu.memory_space<hbm>> -> memref<632x32xf32, #tpu.memory_space<hbm>>
      %dma_start3A_17 = arith.constant 0 : i32
      %dma_start3A_18 = tpu.memref_slice %arg10[%mul3A_12, %dma_start3A_17] : memref<10112x32xf32, #tpu.memory_space<vmem_shared>> -> memref<632x32xf32, #tpu.memory_space<vmem_shared>>
      tpu.enqueue_dma source(%dma_start3A_18 : memref<632x32xf32, #tpu.memory_space<vmem_shared>>) target(%dma_start3A_16 : memref<632x32xf32, #tpu.memory_space<hbm>>) target_semaphore(%run_scoped3A : memref<!tpu.dma_semaphore, #tpu.memory_space<semaphore_mem>>)
      %dma_wait3A = arith.constant 0 : i32
      %dma_wait3A_19 = tpu.memref_slice %arg6[%arg0, %mul3A_14, %dma_wait3A] : memref<2x10112x32xf32, #tpu.memory_space<hbm>> -> memref<1x632x32xf32, #tpu.memory_space<hbm>>
      %dma_wait3A_20 = tpu.memref_squeeze %dma_wait3A_19 : memref<1x632x32xf32, #tpu.memory_space<hbm>> -> memref<632x32xf32, #tpu.memory_space<hbm>>
      %dma_wait3A_21 = arith.constant 0 : i32
      %dma_wait3A_22 = tpu.memref_slice %arg10[%mul3A_12, %dma_wait3A_21] : memref<10112x32xf32, #tpu.memory_space<vmem_shared>> -> memref<632x32xf32, #tpu.memory_space<vmem_shared>>
      tpu.wait_dma2 semaphore(%run_scoped3A : memref<!tpu.dma_semaphore, #tpu.memory_space<semaphore_mem>>) src(%dma_wait3A_22 : memref<632x32xf32, #tpu.memory_space<vmem_shared>>) dst(%dma_wait3A_20 : memref<632x32xf32, #tpu.memory_space<hbm>>)
      tpu.yield
    }) : () -> ()
    return
  }
}

#map = affine_map<(d0, d1) -> (0, 0, 0)>
#map1 = affine_map<(d0, d1) -> (0, 0)>
module attributes {stable_mosaic.version = 14 : i64} {
  func.func @_agg(%arg0: i32, %arg1: i32, %arg2: memref<32x79x128xi32, #tpu.memory_space<hbm>>, %arg3: memref<32x79x128xi32, #tpu.memory_space<hbm>>, %arg4: memref<10000x32xf32, #tpu.memory_space<hbm>>, %arg5: memref<10112x32xf32, #tpu.memory_space<hbm>>, %arg6: memref<2x10112x32xf32, #tpu.memory_space<hbm>>, %arg7: memref<79x128xi32, #tpu.memory_space<vmem>>, %arg8: memref<79x128xi32, #tpu.memory_space<vmem>>, %arg9: memref<128x32xf32, #tpu.memory_space<vmem>>, %arg10: memref<10112x32xf32, #tpu.memory_space<vmem_shared>>, %arg11: memref<!tpu.dma_semaphore, #tpu.memory_space<semaphore_mem>>) attributes {dimension_semantics = [#tpu.dimension_semantics<core_parallel>, #tpu.dimension_semantics<subcore_parallel>], iteration_bounds = array<i64: 2, 16>, scalar_prefetch = 0 : i64, scratch_operands = 5 : i64, tpu.core_type = #tpu.core_type<sc_vector_subcore>, window_params = [{transform_indices = #map}, {transform_indices = #map}, {transform_indices = #map1}, {transform_indices = #map1}, {transform_indices = #map}]} {
    %mul3A = arith.constant 16 : i32
    %mul3A_0 = arith.muli %arg0, %mul3A : i32
    %add3A = arith.addi %mul3A_0, %arg1 : i32
    %mul3A_1 = arith.constant 632 : i32
    %mul3A_2 = arith.muli %arg1, %mul3A_1 : i32
    %mul3A_3 = arith.constant 632 : i32
    %mul3A_4 = arith.muli %arg1, %mul3A_3 : i32
    "tpu.region"() ({
      %run_scoped3A = tpu.sem_alloc : memref<!tpu.dma_semaphore, #tpu.memory_space<semaphore_mem>>
      %dma_start3A = arith.constant 0 : i32
      %dma_start3A_15 = tpu.memref_slice %arg10[%mul3A_4, %dma_start3A] : memref<10112x32xf32, #tpu.memory_space<vmem_shared>> -> memref<632x32xf32, #tpu.memory_space<vmem_shared>>
      %dma_start3A_16 = arith.constant 0 : i32
      %dma_start3A_17 = tpu.memref_slice %arg5[%mul3A_2, %dma_start3A_16] : memref<10112x32xf32, #tpu.memory_space<hbm>> -> memref<632x32xf32, #tpu.memory_space<hbm>>
      tpu.enqueue_dma source(%dma_start3A_17 : memref<632x32xf32, #tpu.memory_space<hbm>>) target(%dma_start3A_15 : memref<632x32xf32, #tpu.memory_space<vmem_shared>>) target_semaphore(%run_scoped3A : memref<!tpu.dma_semaphore, #tpu.memory_space<semaphore_mem>>)
      %dma_wait3A = arith.constant 0 : i32
      %dma_wait3A_18 = tpu.memref_slice %arg10[%mul3A_4, %dma_wait3A] : memref<10112x32xf32, #tpu.memory_space<vmem_shared>> -> memref<632x32xf32, #tpu.memory_space<vmem_shared>>
      %dma_wait3A_19 = arith.constant 0 : i32
      %dma_wait3A_20 = tpu.memref_slice %arg5[%mul3A_2, %dma_wait3A_19] : memref<10112x32xf32, #tpu.memory_space<hbm>> -> memref<632x32xf32, #tpu.memory_space<hbm>>
      tpu.wait_dma2 semaphore(%run_scoped3A : memref<!tpu.dma_semaphore, #tpu.memory_space<semaphore_mem>>) src(%dma_wait3A_20 : memref<632x32xf32, #tpu.memory_space<hbm>>) dst(%dma_wait3A_18 : memref<632x32xf32, #tpu.memory_space<vmem_shared>>)
      tpu.yield
    }) : () -> ()
    "tpu.region"() ({
      %run_scoped3A = tpu.sem_alloc : memref<!tpu.dma_semaphore, #tpu.memory_space<semaphore_mem>>
      %dma_start3A = arith.constant 0 : i32
      %dma_start3A_15 = arith.constant 0 : i32
      %dma_start3A_16 = tpu.memref_slice %arg2[%add3A, %dma_start3A, %dma_start3A_15] : memref<32x79x128xi32, #tpu.memory_space<hbm>> -> memref<1x79x128xi32, #tpu.memory_space<hbm>>
      %dma_start3A_17 = tpu.memref_squeeze %dma_start3A_16 : memref<1x79x128xi32, #tpu.memory_space<hbm>> -> memref<79x128xi32, #tpu.memory_space<hbm>>
      %dma_start3A_18 = arith.constant 0 : i32
      %dma_start3A_19 = arith.constant 0 : i32
      %dma_start3A_20 = tpu.memref_slice %arg2[%add3A, %dma_start3A_18, %dma_start3A_19] : memref<32x79x128xi32, #tpu.memory_space<hbm>> -> memref<1x79x128xi32, #tpu.memory_space<hbm>>
      %dma_start3A_21 = tpu.memref_squeeze %dma_start3A_20 : memref<1x79x128xi32, #tpu.memory_space<hbm>> -> memref<79x128xi32, #tpu.memory_space<hbm>>
      tpu.enqueue_dma source(%dma_start3A_21 : memref<79x128xi32, #tpu.memory_space<hbm>>) target(%arg7 : memref<79x128xi32, #tpu.memory_space<vmem>>) target_semaphore(%run_scoped3A : memref<!tpu.dma_semaphore, #tpu.memory_space<semaphore_mem>>)
      %dma_wait3A = arith.constant 0 : i32
      %dma_wait3A_22 = arith.constant 0 : i32
      %dma_wait3A_23 = tpu.memref_slice %arg2[%add3A, %dma_wait3A, %dma_wait3A_22] : memref<32x79x128xi32, #tpu.memory_space<hbm>> -> memref<1x79x128xi32, #tpu.memory_space<hbm>>
      %dma_wait3A_24 = tpu.memref_squeeze %dma_wait3A_23 : memref<1x79x128xi32, #tpu.memory_space<hbm>> -> memref<79x128xi32, #tpu.memory_space<hbm>>
      %dma_wait3A_25 = arith.constant 0 : i32
      %dma_wait3A_26 = arith.constant 0 : i32
      %dma_wait3A_27 = tpu.memref_slice %arg2[%add3A, %dma_wait3A_25, %dma_wait3A_26] : memref<32x79x128xi32, #tpu.memory_space<hbm>> -> memref<1x79x128xi32, #tpu.memory_space<hbm>>
      %dma_wait3A_28 = tpu.memref_squeeze %dma_wait3A_27 : memref<1x79x128xi32, #tpu.memory_space<hbm>> -> memref<79x128xi32, #tpu.memory_space<hbm>>
      tpu.wait_dma2 semaphore(%run_scoped3A : memref<!tpu.dma_semaphore, #tpu.memory_space<semaphore_mem>>) src(%dma_wait3A_28 : memref<79x128xi32, #tpu.memory_space<hbm>>) dst(%arg7 : memref<79x128xi32, #tpu.memory_space<vmem>>)
      tpu.yield
    }) : () -> ()
    "tpu.region"() ({
      %run_scoped3A = tpu.sem_alloc : memref<!tpu.dma_semaphore, #tpu.memory_space<semaphore_mem>>
      %dma_start3A = arith.constant 0 : i32
      %dma_start3A_15 = arith.constant 0 : i32
      %dma_start3A_16 = tpu.memref_slice %arg3[%add3A, %dma_start3A, %dma_start3A_15] : memref<32x79x128xi32, #tpu.memory_space<hbm>> -> memref<1x79x128xi32, #tpu.memory_space<hbm>>
      %dma_start3A_17 = tpu.memref_squeeze %dma_start3A_16 : memref<1x79x128xi32, #tpu.memory_space<hbm>> -> memref<79x128xi32, #tpu.memory_space<hbm>>
      %dma_start3A_18 = arith.constant 0 : i32
      %dma_start3A_19 = arith.constant 0 : i32
      %dma_start3A_20 = tpu.memref_slice %arg3[%add3A, %dma_start3A_18, %dma_start3A_19] : memref<32x79x128xi32, #tpu.memory_space<hbm>> -> memref<1x79x128xi32, #tpu.memory_space<hbm>>
      %dma_start3A_21 = tpu.memref_squeeze %dma_start3A_20 : memref<1x79x128xi32, #tpu.memory_space<hbm>> -> memref<79x128xi32, #tpu.memory_space<hbm>>
      tpu.enqueue_dma source(%dma_start3A_21 : memref<79x128xi32, #tpu.memory_space<hbm>>) target(%arg8 : memref<79x128xi32, #tpu.memory_space<vmem>>) target_semaphore(%run_scoped3A : memref<!tpu.dma_semaphore, #tpu.memory_space<semaphore_mem>>)
      %dma_wait3A = arith.constant 0 : i32
      %dma_wait3A_22 = arith.constant 0 : i32
      %dma_wait3A_23 = tpu.memref_slice %arg3[%add3A, %dma_wait3A, %dma_wait3A_22] : memref<32x79x128xi32, #tpu.memory_space<hbm>> -> memref<1x79x128xi32, #tpu.memory_space<hbm>>
      %dma_wait3A_24 = tpu.memref_squeeze %dma_wait3A_23 : memref<1x79x128xi32, #tpu.memory_space<hbm>> -> memref<79x128xi32, #tpu.memory_space<hbm>>
      %dma_wait3A_25 = arith.constant 0 : i32
      %dma_wait3A_26 = arith.constant 0 : i32
      %dma_wait3A_27 = tpu.memref_slice %arg3[%add3A, %dma_wait3A_25, %dma_wait3A_26] : memref<32x79x128xi32, #tpu.memory_space<hbm>> -> memref<1x79x128xi32, #tpu.memory_space<hbm>>
      %dma_wait3A_28 = tpu.memref_squeeze %dma_wait3A_27 : memref<1x79x128xi32, #tpu.memory_space<hbm>> -> memref<79x128xi32, #tpu.memory_space<hbm>>
      tpu.wait_dma2 semaphore(%run_scoped3A : memref<!tpu.dma_semaphore, #tpu.memory_space<semaphore_mem>>) src(%dma_wait3A_28 : memref<79x128xi32, #tpu.memory_space<hbm>>) dst(%arg8 : memref<79x128xi32, #tpu.memory_space<vmem>>)
      tpu.yield
    }) : () -> ()
    %barrier3A = arith.constant 0 : index
    tpu.barrier barrier_id(%barrier3A)
    %scan3A = arith.constant 0 : i32
    %scan3A_5 = arith.constant 0 : i32
    %scan3A_6 = arith.constant 79 : i32
    %scan3A_7 = arith.addi %scan3A_5, %scan3A_6 : i32
    %scan3A_8 = arith.constant 1 : i32
    scf.for %scan3A_15 = %scan3A_5 to %scan3A_7 step %scan3A_8  : i32 {
      %dma_start3A = arith.constant 0 : i32
      %dma_start3A_16 = tpu.memref_slice %arg7[%scan3A_15, %dma_start3A] : memref<79x128xi32, #tpu.memory_space<vmem>> -> memref<1x128xi32, #tpu.memory_space<vmem>>
      %dma_start3A_17 = tpu.memref_squeeze %dma_start3A_16 : memref<1x128xi32, #tpu.memory_space<vmem>> -> memref<128xi32, #tpu.memory_space<vmem>>
      %dma_start3A_18 = arith.constant 0 : i32
      %dma_start3A_19 = arith.constant 0 : i32
      %dma_start3A_20 = tpu.memref_slice %arg4[%dma_start3A_18, %dma_start3A_19] : memref<10000x32xf32, #tpu.memory_space<hbm>> -> memref<10000x32xf32, #tpu.memory_space<hbm>>
      tpu.enqueue_indirect_dma source(%dma_start3A_20 : memref<10000x32xf32, #tpu.memory_space<hbm>>) target(%arg9 : memref<128x32xf32, #tpu.memory_space<vmem>>) offsets(%dma_start3A_17 : memref<128xi32, #tpu.memory_space<vmem>>) semaphore(%arg11 : memref<!tpu.dma_semaphore, #tpu.memory_space<semaphore_mem>>)
      %dma_wait3A = arith.constant 0 : i32
      %dma_wait3A_21 = tpu.memref_slice %arg7[%scan3A_15, %dma_wait3A] : memref<79x128xi32, #tpu.memory_space<vmem>> -> memref<1x128xi32, #tpu.memory_space<vmem>>
      %dma_wait3A_22 = tpu.memref_squeeze %dma_wait3A_21 : memref<1x128xi32, #tpu.memory_space<vmem>> -> memref<128xi32, #tpu.memory_space<vmem>>
      %dma_wait3A_23 = arith.constant 0 : i32
      %dma_wait3A_24 = arith.constant 0 : i32
      %dma_wait3A_25 = tpu.memref_slice %arg4[%dma_wait3A_23, %dma_wait3A_24] : memref<10000x32xf32, #tpu.memory_space<hbm>> -> memref<10000x32xf32, #tpu.memory_space<hbm>>
      tpu.wait_indirect_dma semaphore(%arg11 : memref<!tpu.dma_semaphore, #tpu.memory_space<semaphore_mem>>) src(%dma_wait3A_25 : memref<10000x32xf32, #tpu.memory_space<hbm>>) dst(%arg9 : memref<128x32xf32, #tpu.memory_space<vmem>>)
      "tpu.region"() ({
        %run_scoped3A = tpu.sem_alloc : memref<!tpu.dma_semaphore, #tpu.memory_space<semaphore_mem>>
        %dma_start3A_26 = arith.constant 0 : i32
        %dma_start3A_27 = tpu.memref_slice %arg8[%scan3A_15, %dma_start3A_26] : memref<79x128xi32, #tpu.memory_space<vmem>> -> memref<1x128xi32, #tpu.memory_space<vmem>>
        %dma_start3A_28 = tpu.memref_squeeze %dma_start3A_27 : memref<1x128xi32, #tpu.memory_space<vmem>> -> memref<128xi32, #tpu.memory_space<vmem>>
        %dma_start3A_29 = arith.constant 0 : i32
        %dma_start3A_30 = arith.constant 0 : i32
        %dma_start3A_31 = tpu.memref_slice %arg10[%dma_start3A_29, %dma_start3A_30] : memref<10112x32xf32, #tpu.memory_space<vmem_shared>> -> memref<10112x32xf32, #tpu.memory_space<vmem_shared>>
        tpu.enqueue_indirect_dma source(%arg9 : memref<128x32xf32, #tpu.memory_space<vmem>>) target(%dma_start3A_31 : memref<10112x32xf32, #tpu.memory_space<vmem_shared>>) offsets(%dma_start3A_28 : memref<128xi32, #tpu.memory_space<vmem>>) semaphore(%run_scoped3A : memref<!tpu.dma_semaphore, #tpu.memory_space<semaphore_mem>>) {add = true}
        %dma_wait3A_32 = arith.constant 0 : i32
        %dma_wait3A_33 = tpu.memref_slice %arg8[%scan3A_15, %dma_wait3A_32] : memref<79x128xi32, #tpu.memory_space<vmem>> -> memref<1x128xi32, #tpu.memory_space<vmem>>
        %dma_wait3A_34 = tpu.memref_squeeze %dma_wait3A_33 : memref<1x128xi32, #tpu.memory_space<vmem>> -> memref<128xi32, #tpu.memory_space<vmem>>
        %dma_wait3A_35 = arith.constant 0 : i32
        %dma_wait3A_36 = arith.constant 0 : i32
        %dma_wait3A_37 = tpu.memref_slice %arg10[%dma_wait3A_35, %dma_wait3A_36] : memref<10112x32xf32, #tpu.memory_space<vmem_shared>> -> memref<10112x32xf32, #tpu.memory_space<vmem_shared>>
        tpu.wait_indirect_dma semaphore(%run_scoped3A : memref<!tpu.dma_semaphore, #tpu.memory_space<semaphore_mem>>) src(%arg9 : memref<128x32xf32, #tpu.memory_space<vmem>>) dst(%dma_wait3A_37 : memref<10112x32xf32, #tpu.memory_space<vmem_shared>>)
        tpu.yield
      }) : () -> ()
    }
    %scan3A_9 = arith.constant 79 : i32
    %barrier3A_10 = arith.constant 0 : index
    tpu.barrier barrier_id(%barrier3A_10)
    %mul3A_11 = arith.constant 632 : i32
    %mul3A_12 = arith.muli %arg1, %mul3A_11 : i32
    %mul3A_13 = arith.constant 632 : i32
    %mul3A_14 = arith.muli %arg1, %mul3A_13 : i32
    "tpu.region"() ({
      %run_scoped3A = tpu.sem_alloc : memref<!tpu.dma_semaphore, #tpu.memory_space<semaphore_mem>>
      %dma_start3A = arith.constant 0 : i32
      %dma_start3A_15 = tpu.memref_slice %arg6[%arg0, %mul3A_14, %dma_start3A] : memref<2x10112x32xf32, #tpu.memory_space<hbm>> -> memref<1x632x32xf32, #tpu.memory_space<hbm>>
      %dma_start3A_16 = tpu.memref_squeeze %dma_start3A_15 : memref<1x632x32xf32, #tpu.memory_space<hbm>> -> memref<632x32xf32, #tpu.memory_space<hbm>>
      %dma_start3A_17 = arith.constant 0 : i32
      %dma_start3A_18 = tpu.memref_slice %arg10[%mul3A_12, %dma_start3A_17] : memref<10112x32xf32, #tpu.memory_space<vmem_shared>> -> memref<632x32xf32, #tpu.memory_space<vmem_shared>>
      tpu.enqueue_dma source(%dma_start3A_18 : memref<632x32xf32, #tpu.memory_space<vmem_shared>>) target(%dma_start3A_16 : memref<632x32xf32, #tpu.memory_space<hbm>>) target_semaphore(%run_scoped3A : memref<!tpu.dma_semaphore, #tpu.memory_space<semaphore_mem>>)
      %dma_wait3A = arith.constant 0 : i32
      %dma_wait3A_19 = tpu.memref_slice %arg6[%arg0, %mul3A_14, %dma_wait3A] : memref<2x10112x32xf32, #tpu.memory_space<hbm>> -> memref<1x632x32xf32, #tpu.memory_space<hbm>>
      %dma_wait3A_20 = tpu.memref_squeeze %dma_wait3A_19 : memref<1x632x32xf32, #tpu.memory_space<hbm>> -> memref<632x32xf32, #tpu.memory_space<hbm>>
      %dma_wait3A_21 = arith.constant 0 : i32
      %dma_wait3A_22 = tpu.memref_slice %arg10[%mul3A_12, %dma_wait3A_21] : memref<10112x32xf32, #tpu.memory_space<vmem_shared>> -> memref<632x32xf32, #tpu.memory_space<vmem_shared>>
      tpu.wait_dma2 semaphore(%run_scoped3A : memref<!tpu.dma_semaphore, #tpu.memory_space<semaphore_mem>>) src(%dma_wait3A_22 : memref<632x32xf32, #tpu.memory_space<vmem_shared>>) dst(%dma_wait3A_20 : memref<632x32xf32, #tpu.memory_space<hbm>>)
      tpu.yield
    }) : () -> ()
    return
  }
}

#map = affine_map<(d0, d1) -> (0, 0, 0)>
#map1 = affine_map<(d0, d1) -> (0, 0)>
module attributes {stable_mosaic.version = 14 : i64} {
  func.func @_agg(%arg0: i32, %arg1: i32, %arg2: memref<32x79x128xi32, #tpu.memory_space<hbm>>, %arg3: memref<32x79x128xi32, #tpu.memory_space<hbm>>, %arg4: memref<10000x32xf32, #tpu.memory_space<hbm>>, %arg5: memref<10112x32xf32, #tpu.memory_space<hbm>>, %arg6: memref<2x10112x32xf32, #tpu.memory_space<hbm>>, %arg7: memref<79x128xi32, #tpu.memory_space<vmem>>, %arg8: memref<79x128xi32, #tpu.memory_space<vmem>>, %arg9: memref<128x32xf32, #tpu.memory_space<vmem>>, %arg10: memref<10112x32xf32, #tpu.memory_space<vmem_shared>>, %arg11: memref<!tpu.dma_semaphore, #tpu.memory_space<semaphore_mem>>) attributes {dimension_semantics = [#tpu.dimension_semantics<core_parallel>, #tpu.dimension_semantics<subcore_parallel>], iteration_bounds = array<i64: 2, 16>, scalar_prefetch = 0 : i64, scratch_operands = 5 : i64, tpu.core_type = #tpu.core_type<sc_vector_subcore>, window_params = [{transform_indices = #map}, {transform_indices = #map}, {transform_indices = #map1}, {transform_indices = #map1}, {transform_indices = #map}]} {
    %mul3A = arith.constant 16 : i32
    %mul3A_0 = arith.muli %arg0, %mul3A : i32
    %add3A = arith.addi %mul3A_0, %arg1 : i32
    %mul3A_1 = arith.constant 632 : i32
    %mul3A_2 = arith.muli %arg1, %mul3A_1 : i32
    %mul3A_3 = arith.constant 632 : i32
    %mul3A_4 = arith.muli %arg1, %mul3A_3 : i32
    "tpu.region"() ({
      %run_scoped3A = tpu.sem_alloc : memref<!tpu.dma_semaphore, #tpu.memory_space<semaphore_mem>>
      %dma_start3A = arith.constant 0 : i32
      %dma_start3A_15 = tpu.memref_slice %arg10[%mul3A_4, %dma_start3A] : memref<10112x32xf32, #tpu.memory_space<vmem_shared>> -> memref<632x32xf32, #tpu.memory_space<vmem_shared>>
      %dma_start3A_16 = arith.constant 0 : i32
      %dma_start3A_17 = tpu.memref_slice %arg5[%mul3A_2, %dma_start3A_16] : memref<10112x32xf32, #tpu.memory_space<hbm>> -> memref<632x32xf32, #tpu.memory_space<hbm>>
      tpu.enqueue_dma source(%dma_start3A_17 : memref<632x32xf32, #tpu.memory_space<hbm>>) target(%dma_start3A_15 : memref<632x32xf32, #tpu.memory_space<vmem_shared>>) target_semaphore(%run_scoped3A : memref<!tpu.dma_semaphore, #tpu.memory_space<semaphore_mem>>)
      %dma_wait3A = arith.constant 0 : i32
      %dma_wait3A_18 = tpu.memref_slice %arg10[%mul3A_4, %dma_wait3A] : memref<10112x32xf32, #tpu.memory_space<vmem_shared>> -> memref<632x32xf32, #tpu.memory_space<vmem_shared>>
      %dma_wait3A_19 = arith.constant 0 : i32
      %dma_wait3A_20 = tpu.memref_slice %arg5[%mul3A_2, %dma_wait3A_19] : memref<10112x32xf32, #tpu.memory_space<hbm>> -> memref<632x32xf32, #tpu.memory_space<hbm>>
      tpu.wait_dma2 semaphore(%run_scoped3A : memref<!tpu.dma_semaphore, #tpu.memory_space<semaphore_mem>>) src(%dma_wait3A_20 : memref<632x32xf32, #tpu.memory_space<hbm>>) dst(%dma_wait3A_18 : memref<632x32xf32, #tpu.memory_space<vmem_shared>>)
      tpu.yield
    }) : () -> ()
    "tpu.region"() ({
      %run_scoped3A = tpu.sem_alloc : memref<!tpu.dma_semaphore, #tpu.memory_space<semaphore_mem>>
      %dma_start3A = arith.constant 0 : i32
      %dma_start3A_15 = arith.constant 0 : i32
      %dma_start3A_16 = tpu.memref_slice %arg2[%add3A, %dma_start3A, %dma_start3A_15] : memref<32x79x128xi32, #tpu.memory_space<hbm>> -> memref<1x79x128xi32, #tpu.memory_space<hbm>>
      %dma_start3A_17 = tpu.memref_squeeze %dma_start3A_16 : memref<1x79x128xi32, #tpu.memory_space<hbm>> -> memref<79x128xi32, #tpu.memory_space<hbm>>
      %dma_start3A_18 = arith.constant 0 : i32
      %dma_start3A_19 = arith.constant 0 : i32
      %dma_start3A_20 = tpu.memref_slice %arg2[%add3A, %dma_start3A_18, %dma_start3A_19] : memref<32x79x128xi32, #tpu.memory_space<hbm>> -> memref<1x79x128xi32, #tpu.memory_space<hbm>>
      %dma_start3A_21 = tpu.memref_squeeze %dma_start3A_20 : memref<1x79x128xi32, #tpu.memory_space<hbm>> -> memref<79x128xi32, #tpu.memory_space<hbm>>
      tpu.enqueue_dma source(%dma_start3A_21 : memref<79x128xi32, #tpu.memory_space<hbm>>) target(%arg7 : memref<79x128xi32, #tpu.memory_space<vmem>>) target_semaphore(%run_scoped3A : memref<!tpu.dma_semaphore, #tpu.memory_space<semaphore_mem>>)
      %dma_wait3A = arith.constant 0 : i32
      %dma_wait3A_22 = arith.constant 0 : i32
      %dma_wait3A_23 = tpu.memref_slice %arg2[%add3A, %dma_wait3A, %dma_wait3A_22] : memref<32x79x128xi32, #tpu.memory_space<hbm>> -> memref<1x79x128xi32, #tpu.memory_space<hbm>>
      %dma_wait3A_24 = tpu.memref_squeeze %dma_wait3A_23 : memref<1x79x128xi32, #tpu.memory_space<hbm>> -> memref<79x128xi32, #tpu.memory_space<hbm>>
      %dma_wait3A_25 = arith.constant 0 : i32
      %dma_wait3A_26 = arith.constant 0 : i32
      %dma_wait3A_27 = tpu.memref_slice %arg2[%add3A, %dma_wait3A_25, %dma_wait3A_26] : memref<32x79x128xi32, #tpu.memory_space<hbm>> -> memref<1x79x128xi32, #tpu.memory_space<hbm>>
      %dma_wait3A_28 = tpu.memref_squeeze %dma_wait3A_27 : memref<1x79x128xi32, #tpu.memory_space<hbm>> -> memref<79x128xi32, #tpu.memory_space<hbm>>
      tpu.wait_dma2 semaphore(%run_scoped3A : memref<!tpu.dma_semaphore, #tpu.memory_space<semaphore_mem>>) src(%dma_wait3A_28 : memref<79x128xi32, #tpu.memory_space<hbm>>) dst(%arg7 : memref<79x128xi32, #tpu.memory_space<vmem>>)
      tpu.yield
    }) : () -> ()
    "tpu.region"() ({
      %run_scoped3A = tpu.sem_alloc : memref<!tpu.dma_semaphore, #tpu.memory_space<semaphore_mem>>
      %dma_start3A = arith.constant 0 : i32
      %dma_start3A_15 = arith.constant 0 : i32
      %dma_start3A_16 = tpu.memref_slice %arg3[%add3A, %dma_start3A, %dma_start3A_15] : memref<32x79x128xi32, #tpu.memory_space<hbm>> -> memref<1x79x128xi32, #tpu.memory_space<hbm>>
      %dma_start3A_17 = tpu.memref_squeeze %dma_start3A_16 : memref<1x79x128xi32, #tpu.memory_space<hbm>> -> memref<79x128xi32, #tpu.memory_space<hbm>>
      %dma_start3A_18 = arith.constant 0 : i32
      %dma_start3A_19 = arith.constant 0 : i32
      %dma_start3A_20 = tpu.memref_slice %arg3[%add3A, %dma_start3A_18, %dma_start3A_19] : memref<32x79x128xi32, #tpu.memory_space<hbm>> -> memref<1x79x128xi32, #tpu.memory_space<hbm>>
      %dma_start3A_21 = tpu.memref_squeeze %dma_start3A_20 : memref<1x79x128xi32, #tpu.memory_space<hbm>> -> memref<79x128xi32, #tpu.memory_space<hbm>>
      tpu.enqueue_dma source(%dma_start3A_21 : memref<79x128xi32, #tpu.memory_space<hbm>>) target(%arg8 : memref<79x128xi32, #tpu.memory_space<vmem>>) target_semaphore(%run_scoped3A : memref<!tpu.dma_semaphore, #tpu.memory_space<semaphore_mem>>)
      %dma_wait3A = arith.constant 0 : i32
      %dma_wait3A_22 = arith.constant 0 : i32
      %dma_wait3A_23 = tpu.memref_slice %arg3[%add3A, %dma_wait3A, %dma_wait3A_22] : memref<32x79x128xi32, #tpu.memory_space<hbm>> -> memref<1x79x128xi32, #tpu.memory_space<hbm>>
      %dma_wait3A_24 = tpu.memref_squeeze %dma_wait3A_23 : memref<1x79x128xi32, #tpu.memory_space<hbm>> -> memref<79x128xi32, #tpu.memory_space<hbm>>
      %dma_wait3A_25 = arith.constant 0 : i32
      %dma_wait3A_26 = arith.constant 0 : i32
      %dma_wait3A_27 = tpu.memref_slice %arg3[%add3A, %dma_wait3A_25, %dma_wait3A_26] : memref<32x79x128xi32, #tpu.memory_space<hbm>> -> memref<1x79x128xi32, #tpu.memory_space<hbm>>
      %dma_wait3A_28 = tpu.memref_squeeze %dma_wait3A_27 : memref<1x79x128xi32, #tpu.memory_space<hbm>> -> memref<79x128xi32, #tpu.memory_space<hbm>>
      tpu.wait_dma2 semaphore(%run_scoped3A : memref<!tpu.dma_semaphore, #tpu.memory_space<semaphore_mem>>) src(%dma_wait3A_28 : memref<79x128xi32, #tpu.memory_space<hbm>>) dst(%arg8 : memref<79x128xi32, #tpu.memory_space<vmem>>)
      tpu.yield
    }) : () -> ()
    %barrier3A = arith.constant 0 : index
    tpu.barrier barrier_id(%barrier3A)
    %scan3A = arith.constant 0 : i32
    %scan3A_5 = arith.constant 0 : i32
    %scan3A_6 = arith.constant 79 : i32
    %scan3A_7 = arith.addi %scan3A_5, %scan3A_6 : i32
    %scan3A_8 = arith.constant 1 : i32
    scf.for %scan3A_15 = %scan3A_5 to %scan3A_7 step %scan3A_8  : i32 {
      %dma_start3A = arith.constant 0 : i32
      %dma_start3A_16 = tpu.memref_slice %arg7[%scan3A_15, %dma_start3A] : memref<79x128xi32, #tpu.memory_space<vmem>> -> memref<1x128xi32, #tpu.memory_space<vmem>>
      %dma_start3A_17 = tpu.memref_squeeze %dma_start3A_16 : memref<1x128xi32, #tpu.memory_space<vmem>> -> memref<128xi32, #tpu.memory_space<vmem>>
      %dma_start3A_18 = arith.constant 0 : i32
      %dma_start3A_19 = arith.constant 0 : i32
      %dma_start3A_20 = tpu.memref_slice %arg4[%dma_start3A_18, %dma_start3A_19] : memref<10000x32xf32, #tpu.memory_space<hbm>> -> memref<10000x32xf32, #tpu.memory_space<hbm>>
      tpu.enqueue_indirect_dma source(%dma_start3A_20 : memref<10000x32xf32, #tpu.memory_space<hbm>>) target(%arg9 : memref<128x32xf32, #tpu.memory_space<vmem>>) offsets(%dma_start3A_17 : memref<128xi32, #tpu.memory_space<vmem>>) semaphore(%arg11 : memref<!tpu.dma_semaphore, #tpu.memory_space<semaphore_mem>>)
      %dma_wait3A = arith.constant 0 : i32
      %dma_wait3A_21 = tpu.memref_slice %arg7[%scan3A_15, %dma_wait3A] : memref<79x128xi32, #tpu.memory_space<vmem>> -> memref<1x128xi32, #tpu.memory_space<vmem>>
      %dma_wait3A_22 = tpu.memref_squeeze %dma_wait3A_21 : memref<1x128xi32, #tpu.memory_space<vmem>> -> memref<128xi32, #tpu.memory_space<vmem>>
      %dma_wait3A_23 = arith.constant 0 : i32
      %dma_wait3A_24 = arith.constant 0 : i32
      %dma_wait3A_25 = tpu.memref_slice %arg4[%dma_wait3A_23, %dma_wait3A_24] : memref<10000x32xf32, #tpu.memory_space<hbm>> -> memref<10000x32xf32, #tpu.memory_space<hbm>>
      tpu.wait_indirect_dma semaphore(%arg11 : memref<!tpu.dma_semaphore, #tpu.memory_space<semaphore_mem>>) src(%dma_wait3A_25 : memref<10000x32xf32, #tpu.memory_space<hbm>>) dst(%arg9 : memref<128x32xf32, #tpu.memory_space<vmem>>)
      "tpu.region"() ({
        %run_scoped3A = tpu.sem_alloc : memref<!tpu.dma_semaphore, #tpu.memory_space<semaphore_mem>>
        %dma_start3A_26 = arith.constant 0 : i32
        %dma_start3A_27 = tpu.memref_slice %arg8[%scan3A_15, %dma_start3A_26] : memref<79x128xi32, #tpu.memory_space<vmem>> -> memref<1x128xi32, #tpu.memory_space<vmem>>
        %dma_start3A_28 = tpu.memref_squeeze %dma_start3A_27 : memref<1x128xi32, #tpu.memory_space<vmem>> -> memref<128xi32, #tpu.memory_space<vmem>>
        %dma_start3A_29 = arith.constant 0 : i32
        %dma_start3A_30 = arith.constant 0 : i32
        %dma_start3A_31 = tpu.memref_slice %arg10[%dma_start3A_29, %dma_start3A_30] : memref<10112x32xf32, #tpu.memory_space<vmem_shared>> -> memref<10112x32xf32, #tpu.memory_space<vmem_shared>>
        tpu.enqueue_indirect_dma source(%arg9 : memref<128x32xf32, #tpu.memory_space<vmem>>) target(%dma_start3A_31 : memref<10112x32xf32, #tpu.memory_space<vmem_shared>>) offsets(%dma_start3A_28 : memref<128xi32, #tpu.memory_space<vmem>>) semaphore(%run_scoped3A : memref<!tpu.dma_semaphore, #tpu.memory_space<semaphore_mem>>) {add = true}
        %dma_wait3A_32 = arith.constant 0 : i32
        %dma_wait3A_33 = tpu.memref_slice %arg8[%scan3A_15, %dma_wait3A_32] : memref<79x128xi32, #tpu.memory_space<vmem>> -> memref<1x128xi32, #tpu.memory_space<vmem>>
        %dma_wait3A_34 = tpu.memref_squeeze %dma_wait3A_33 : memref<1x128xi32, #tpu.memory_space<vmem>> -> memref<128xi32, #tpu.memory_space<vmem>>
        %dma_wait3A_35 = arith.constant 0 : i32
        %dma_wait3A_36 = arith.constant 0 : i32
        %dma_wait3A_37 = tpu.memref_slice %arg10[%dma_wait3A_35, %dma_wait3A_36] : memref<10112x32xf32, #tpu.memory_space<vmem_shared>> -> memref<10112x32xf32, #tpu.memory_space<vmem_shared>>
        tpu.wait_indirect_dma semaphore(%run_scoped3A : memref<!tpu.dma_semaphore, #tpu.memory_space<semaphore_mem>>) src(%arg9 : memref<128x32xf32, #tpu.memory_space<vmem>>) dst(%dma_wait3A_37 : memref<10112x32xf32, #tpu.memory_space<vmem_shared>>)
        tpu.yield
      }) : () -> ()
    }
    %scan3A_9 = arith.constant 79 : i32
    %barrier3A_10 = arith.constant 0 : index
    tpu.barrier barrier_id(%barrier3A_10)
    %mul3A_11 = arith.constant 632 : i32
    %mul3A_12 = arith.muli %arg1, %mul3A_11 : i32
    %mul3A_13 = arith.constant 632 : i32
    %mul3A_14 = arith.muli %arg1, %mul3A_13 : i32
    "tpu.region"() ({
      %run_scoped3A = tpu.sem_alloc : memref<!tpu.dma_semaphore, #tpu.memory_space<semaphore_mem>>
      %dma_start3A = arith.constant 0 : i32
      %dma_start3A_15 = tpu.memref_slice %arg6[%arg0, %mul3A_14, %dma_start3A] : memref<2x10112x32xf32, #tpu.memory_space<hbm>> -> memref<1x632x32xf32, #tpu.memory_space<hbm>>
      %dma_start3A_16 = tpu.memref_squeeze %dma_start3A_15 : memref<1x632x32xf32, #tpu.memory_space<hbm>> -> memref<632x32xf32, #tpu.memory_space<hbm>>
      %dma_start3A_17 = arith.constant 0 : i32
      %dma_start3A_18 = tpu.memref_slice %arg10[%mul3A_12, %dma_start3A_17] : memref<10112x32xf32, #tpu.memory_space<vmem_shared>> -> memref<632x32xf32, #tpu.memory_space<vmem_shared>>
      tpu.enqueue_dma source(%dma_start3A_18 : memref<632x32xf32, #tpu.memory_space<vmem_shared>>) target(%dma_start3A_16 : memref<632x32xf32, #tpu.memory_space<hbm>>) target_semaphore(%run_scoped3A : memref<!tpu.dma_semaphore, #tpu.memory_space<semaphore_mem>>)
      %dma_wait3A = arith.constant 0 : i32
      %dma_wait3A_19 = tpu.memref_slice %arg6[%arg0, %mul3A_14, %dma_wait3A] : memref<2x10112x32xf32, #tpu.memory_space<hbm>> -> memref<1x632x32xf32, #tpu.memory_space<hbm>>
      %dma_wait3A_20 = tpu.memref_squeeze %dma_wait3A_19 : memref<1x632x32xf32, #tpu.memory_space<hbm>> -> memref<632x32xf32, #tpu.memory_space<hbm>>
      %dma_wait3A_21 = arith.constant 0 : i32
      %dma_wait3A_22 = tpu.memref_slice %arg10[%mul3A_12, %dma_wait3A_21] : memref<10112x32xf32, #tpu.memory_space<vmem_shared>> -> memref<632x32xf32, #tpu.memory_space<vmem_shared>>
      tpu.wait_dma2 semaphore(%run_scoped3A : memref<!tpu.dma_semaphore, #tpu.memory_space<semaphore_mem>>) src(%dma_wait3A_22 : memref<632x32xf32, #tpu.memory_space<vmem_shared>>) dst(%dma_wait3A_20 : memref<632x32xf32, #tpu.memory_space<hbm>>)
      tpu.yield
    }) : () -> ()
    return
  }
}

#map = affine_map<(d0, d1) -> (0, 0, 0)>
#map1 = affine_map<(d0, d1) -> (0, 0)>
module attributes {stable_mosaic.version = 14 : i64} {
  func.func @_agg(%arg0: i32, %arg1: i32, %arg2: memref<32x79x128xi32, #tpu.memory_space<hbm>>, %arg3: memref<32x79x128xi32, #tpu.memory_space<hbm>>, %arg4: memref<10000x32xf32, #tpu.memory_space<hbm>>, %arg5: memref<10112x32xf32, #tpu.memory_space<hbm>>, %arg6: memref<2x10112x32xf32, #tpu.memory_space<hbm>>, %arg7: memref<79x128xi32, #tpu.memory_space<vmem>>, %arg8: memref<79x128xi32, #tpu.memory_space<vmem>>, %arg9: memref<128x32xf32, #tpu.memory_space<vmem>>, %arg10: memref<10112x32xf32, #tpu.memory_space<vmem_shared>>, %arg11: memref<!tpu.dma_semaphore, #tpu.memory_space<semaphore_mem>>) attributes {dimension_semantics = [#tpu.dimension_semantics<core_parallel>, #tpu.dimension_semantics<subcore_parallel>], iteration_bounds = array<i64: 2, 16>, scalar_prefetch = 0 : i64, scratch_operands = 5 : i64, tpu.core_type = #tpu.core_type<sc_vector_subcore>, window_params = [{transform_indices = #map}, {transform_indices = #map}, {transform_indices = #map1}, {transform_indices = #map1}, {transform_indices = #map}]} {
    %mul3A = arith.constant 16 : i32
    %mul3A_0 = arith.muli %arg0, %mul3A : i32
    %add3A = arith.addi %mul3A_0, %arg1 : i32
    %mul3A_1 = arith.constant 632 : i32
    %mul3A_2 = arith.muli %arg1, %mul3A_1 : i32
    %mul3A_3 = arith.constant 632 : i32
    %mul3A_4 = arith.muli %arg1, %mul3A_3 : i32
    "tpu.region"() ({
      %run_scoped3A = tpu.sem_alloc : memref<!tpu.dma_semaphore, #tpu.memory_space<semaphore_mem>>
      %dma_start3A = arith.constant 0 : i32
      %dma_start3A_15 = tpu.memref_slice %arg10[%mul3A_4, %dma_start3A] : memref<10112x32xf32, #tpu.memory_space<vmem_shared>> -> memref<632x32xf32, #tpu.memory_space<vmem_shared>>
      %dma_start3A_16 = arith.constant 0 : i32
      %dma_start3A_17 = tpu.memref_slice %arg5[%mul3A_2, %dma_start3A_16] : memref<10112x32xf32, #tpu.memory_space<hbm>> -> memref<632x32xf32, #tpu.memory_space<hbm>>
      tpu.enqueue_dma source(%dma_start3A_17 : memref<632x32xf32, #tpu.memory_space<hbm>>) target(%dma_start3A_15 : memref<632x32xf32, #tpu.memory_space<vmem_shared>>) target_semaphore(%run_scoped3A : memref<!tpu.dma_semaphore, #tpu.memory_space<semaphore_mem>>)
      %dma_wait3A = arith.constant 0 : i32
      %dma_wait3A_18 = tpu.memref_slice %arg10[%mul3A_4, %dma_wait3A] : memref<10112x32xf32, #tpu.memory_space<vmem_shared>> -> memref<632x32xf32, #tpu.memory_space<vmem_shared>>
      %dma_wait3A_19 = arith.constant 0 : i32
      %dma_wait3A_20 = tpu.memref_slice %arg5[%mul3A_2, %dma_wait3A_19] : memref<10112x32xf32, #tpu.memory_space<hbm>> -> memref<632x32xf32, #tpu.memory_space<hbm>>
      tpu.wait_dma2 semaphore(%run_scoped3A : memref<!tpu.dma_semaphore, #tpu.memory_space<semaphore_mem>>) src(%dma_wait3A_20 : memref<632x32xf32, #tpu.memory_space<hbm>>) dst(%dma_wait3A_18 : memref<632x32xf32, #tpu.memory_space<vmem_shared>>)
      tpu.yield
    }) : () -> ()
    "tpu.region"() ({
      %run_scoped3A = tpu.sem_alloc : memref<!tpu.dma_semaphore, #tpu.memory_space<semaphore_mem>>
      %dma_start3A = arith.constant 0 : i32
      %dma_start3A_15 = arith.constant 0 : i32
      %dma_start3A_16 = tpu.memref_slice %arg2[%add3A, %dma_start3A, %dma_start3A_15] : memref<32x79x128xi32, #tpu.memory_space<hbm>> -> memref<1x79x128xi32, #tpu.memory_space<hbm>>
      %dma_start3A_17 = tpu.memref_squeeze %dma_start3A_16 : memref<1x79x128xi32, #tpu.memory_space<hbm>> -> memref<79x128xi32, #tpu.memory_space<hbm>>
      %dma_start3A_18 = arith.constant 0 : i32
      %dma_start3A_19 = arith.constant 0 : i32
      %dma_start3A_20 = tpu.memref_slice %arg2[%add3A, %dma_start3A_18, %dma_start3A_19] : memref<32x79x128xi32, #tpu.memory_space<hbm>> -> memref<1x79x128xi32, #tpu.memory_space<hbm>>
      %dma_start3A_21 = tpu.memref_squeeze %dma_start3A_20 : memref<1x79x128xi32, #tpu.memory_space<hbm>> -> memref<79x128xi32, #tpu.memory_space<hbm>>
      tpu.enqueue_dma source(%dma_start3A_21 : memref<79x128xi32, #tpu.memory_space<hbm>>) target(%arg7 : memref<79x128xi32, #tpu.memory_space<vmem>>) target_semaphore(%run_scoped3A : memref<!tpu.dma_semaphore, #tpu.memory_space<semaphore_mem>>)
      %dma_wait3A = arith.constant 0 : i32
      %dma_wait3A_22 = arith.constant 0 : i32
      %dma_wait3A_23 = tpu.memref_slice %arg2[%add3A, %dma_wait3A, %dma_wait3A_22] : memref<32x79x128xi32, #tpu.memory_space<hbm>> -> memref<1x79x128xi32, #tpu.memory_space<hbm>>
      %dma_wait3A_24 = tpu.memref_squeeze %dma_wait3A_23 : memref<1x79x128xi32, #tpu.memory_space<hbm>> -> memref<79x128xi32, #tpu.memory_space<hbm>>
      %dma_wait3A_25 = arith.constant 0 : i32
      %dma_wait3A_26 = arith.constant 0 : i32
      %dma_wait3A_27 = tpu.memref_slice %arg2[%add3A, %dma_wait3A_25, %dma_wait3A_26] : memref<32x79x128xi32, #tpu.memory_space<hbm>> -> memref<1x79x128xi32, #tpu.memory_space<hbm>>
      %dma_wait3A_28 = tpu.memref_squeeze %dma_wait3A_27 : memref<1x79x128xi32, #tpu.memory_space<hbm>> -> memref<79x128xi32, #tpu.memory_space<hbm>>
      tpu.wait_dma2 semaphore(%run_scoped3A : memref<!tpu.dma_semaphore, #tpu.memory_space<semaphore_mem>>) src(%dma_wait3A_28 : memref<79x128xi32, #tpu.memory_space<hbm>>) dst(%arg7 : memref<79x128xi32, #tpu.memory_space<vmem>>)
      tpu.yield
    }) : () -> ()
    "tpu.region"() ({
      %run_scoped3A = tpu.sem_alloc : memref<!tpu.dma_semaphore, #tpu.memory_space<semaphore_mem>>
      %dma_start3A = arith.constant 0 : i32
      %dma_start3A_15 = arith.constant 0 : i32
      %dma_start3A_16 = tpu.memref_slice %arg3[%add3A, %dma_start3A, %dma_start3A_15] : memref<32x79x128xi32, #tpu.memory_space<hbm>> -> memref<1x79x128xi32, #tpu.memory_space<hbm>>
      %dma_start3A_17 = tpu.memref_squeeze %dma_start3A_16 : memref<1x79x128xi32, #tpu.memory_space<hbm>> -> memref<79x128xi32, #tpu.memory_space<hbm>>
      %dma_start3A_18 = arith.constant 0 : i32
      %dma_start3A_19 = arith.constant 0 : i32
      %dma_start3A_20 = tpu.memref_slice %arg3[%add3A, %dma_start3A_18, %dma_start3A_19] : memref<32x79x128xi32, #tpu.memory_space<hbm>> -> memref<1x79x128xi32, #tpu.memory_space<hbm>>
      %dma_start3A_21 = tpu.memref_squeeze %dma_start3A_20 : memref<1x79x128xi32, #tpu.memory_space<hbm>> -> memref<79x128xi32, #tpu.memory_space<hbm>>
      tpu.enqueue_dma source(%dma_start3A_21 : memref<79x128xi32, #tpu.memory_space<hbm>>) target(%arg8 : memref<79x128xi32, #tpu.memory_space<vmem>>) target_semaphore(%run_scoped3A : memref<!tpu.dma_semaphore, #tpu.memory_space<semaphore_mem>>)
      %dma_wait3A = arith.constant 0 : i32
      %dma_wait3A_22 = arith.constant 0 : i32
      %dma_wait3A_23 = tpu.memref_slice %arg3[%add3A, %dma_wait3A, %dma_wait3A_22] : memref<32x79x128xi32, #tpu.memory_space<hbm>> -> memref<1x79x128xi32, #tpu.memory_space<hbm>>
      %dma_wait3A_24 = tpu.memref_squeeze %dma_wait3A_23 : memref<1x79x128xi32, #tpu.memory_space<hbm>> -> memref<79x128xi32, #tpu.memory_space<hbm>>
      %dma_wait3A_25 = arith.constant 0 : i32
      %dma_wait3A_26 = arith.constant 0 : i32
      %dma_wait3A_27 = tpu.memref_slice %arg3[%add3A, %dma_wait3A_25, %dma_wait3A_26] : memref<32x79x128xi32, #tpu.memory_space<hbm>> -> memref<1x79x128xi32, #tpu.memory_space<hbm>>
      %dma_wait3A_28 = tpu.memref_squeeze %dma_wait3A_27 : memref<1x79x128xi32, #tpu.memory_space<hbm>> -> memref<79x128xi32, #tpu.memory_space<hbm>>
      tpu.wait_dma2 semaphore(%run_scoped3A : memref<!tpu.dma_semaphore, #tpu.memory_space<semaphore_mem>>) src(%dma_wait3A_28 : memref<79x128xi32, #tpu.memory_space<hbm>>) dst(%arg8 : memref<79x128xi32, #tpu.memory_space<vmem>>)
      tpu.yield
    }) : () -> ()
    %barrier3A = arith.constant 0 : index
    tpu.barrier barrier_id(%barrier3A)
    %scan3A = arith.constant 0 : i32
    %scan3A_5 = arith.constant 0 : i32
    %scan3A_6 = arith.constant 79 : i32
    %scan3A_7 = arith.addi %scan3A_5, %scan3A_6 : i32
    %scan3A_8 = arith.constant 1 : i32
    scf.for %scan3A_15 = %scan3A_5 to %scan3A_7 step %scan3A_8  : i32 {
      %dma_start3A = arith.constant 0 : i32
      %dma_start3A_16 = tpu.memref_slice %arg7[%scan3A_15, %dma_start3A] : memref<79x128xi32, #tpu.memory_space<vmem>> -> memref<1x128xi32, #tpu.memory_space<vmem>>
      %dma_start3A_17 = tpu.memref_squeeze %dma_start3A_16 : memref<1x128xi32, #tpu.memory_space<vmem>> -> memref<128xi32, #tpu.memory_space<vmem>>
      %dma_start3A_18 = arith.constant 0 : i32
      %dma_start3A_19 = arith.constant 0 : i32
      %dma_start3A_20 = tpu.memref_slice %arg4[%dma_start3A_18, %dma_start3A_19] : memref<10000x32xf32, #tpu.memory_space<hbm>> -> memref<10000x32xf32, #tpu.memory_space<hbm>>
      tpu.enqueue_indirect_dma source(%dma_start3A_20 : memref<10000x32xf32, #tpu.memory_space<hbm>>) target(%arg9 : memref<128x32xf32, #tpu.memory_space<vmem>>) offsets(%dma_start3A_17 : memref<128xi32, #tpu.memory_space<vmem>>) semaphore(%arg11 : memref<!tpu.dma_semaphore, #tpu.memory_space<semaphore_mem>>)
      %dma_wait3A = arith.constant 0 : i32
      %dma_wait3A_21 = tpu.memref_slice %arg7[%scan3A_15, %dma_wait3A] : memref<79x128xi32, #tpu.memory_space<vmem>> -> memref<1x128xi32, #tpu.memory_space<vmem>>
      %dma_wait3A_22 = tpu.memref_squeeze %dma_wait3A_21 : memref<1x128xi32, #tpu.memory_space<vmem>> -> memref<128xi32, #tpu.memory_space<vmem>>
      %dma_wait3A_23 = arith.constant 0 : i32
      %dma_wait3A_24 = arith.constant 0 : i32
      %dma_wait3A_25 = tpu.memref_slice %arg4[%dma_wait3A_23, %dma_wait3A_24] : memref<10000x32xf32, #tpu.memory_space<hbm>> -> memref<10000x32xf32, #tpu.memory_space<hbm>>
      tpu.wait_indirect_dma semaphore(%arg11 : memref<!tpu.dma_semaphore, #tpu.memory_space<semaphore_mem>>) src(%dma_wait3A_25 : memref<10000x32xf32, #tpu.memory_space<hbm>>) dst(%arg9 : memref<128x32xf32, #tpu.memory_space<vmem>>)
      "tpu.region"() ({
        %run_scoped3A = tpu.sem_alloc : memref<!tpu.dma_semaphore, #tpu.memory_space<semaphore_mem>>
        %dma_start3A_26 = arith.constant 0 : i32
        %dma_start3A_27 = tpu.memref_slice %arg8[%scan3A_15, %dma_start3A_26] : memref<79x128xi32, #tpu.memory_space<vmem>> -> memref<1x128xi32, #tpu.memory_space<vmem>>
        %dma_start3A_28 = tpu.memref_squeeze %dma_start3A_27 : memref<1x128xi32, #tpu.memory_space<vmem>> -> memref<128xi32, #tpu.memory_space<vmem>>
        %dma_start3A_29 = arith.constant 0 : i32
        %dma_start3A_30 = arith.constant 0 : i32
        %dma_start3A_31 = tpu.memref_slice %arg10[%dma_start3A_29, %dma_start3A_30] : memref<10112x32xf32, #tpu.memory_space<vmem_shared>> -> memref<10112x32xf32, #tpu.memory_space<vmem_shared>>
        tpu.enqueue_indirect_dma source(%arg9 : memref<128x32xf32, #tpu.memory_space<vmem>>) target(%dma_start3A_31 : memref<10112x32xf32, #tpu.memory_space<vmem_shared>>) offsets(%dma_start3A_28 : memref<128xi32, #tpu.memory_space<vmem>>) semaphore(%run_scoped3A : memref<!tpu.dma_semaphore, #tpu.memory_space<semaphore_mem>>) {add = true}
        %dma_wait3A_32 = arith.constant 0 : i32
        %dma_wait3A_33 = tpu.memref_slice %arg8[%scan3A_15, %dma_wait3A_32] : memref<79x128xi32, #tpu.memory_space<vmem>> -> memref<1x128xi32, #tpu.memory_space<vmem>>
        %dma_wait3A_34 = tpu.memref_squeeze %dma_wait3A_33 : memref<1x128xi32, #tpu.memory_space<vmem>> -> memref<128xi32, #tpu.memory_space<vmem>>
        %dma_wait3A_35 = arith.constant 0 : i32
        %dma_wait3A_36 = arith.constant 0 : i32
        %dma_wait3A_37 = tpu.memref_slice %arg10[%dma_wait3A_35, %dma_wait3A_36] : memref<10112x32xf32, #tpu.memory_space<vmem_shared>> -> memref<10112x32xf32, #tpu.memory_space<vmem_shared>>
        tpu.wait_indirect_dma semaphore(%run_scoped3A : memref<!tpu.dma_semaphore, #tpu.memory_space<semaphore_mem>>) src(%arg9 : memref<128x32xf32, #tpu.memory_space<vmem>>) dst(%dma_wait3A_37 : memref<10112x32xf32, #tpu.memory_space<vmem_shared>>)
        tpu.yield
      }) : () -> ()
    }
    %scan3A_9 = arith.constant 79 : i32
    %barrier3A_10 = arith.constant 0 : index
    tpu.barrier barrier_id(%barrier3A_10)
    %mul3A_11 = arith.constant 632 : i32
    %mul3A_12 = arith.muli %arg1, %mul3A_11 : i32
    %mul3A_13 = arith.constant 632 : i32
    %mul3A_14 = arith.muli %arg1, %mul3A_13 : i32
    "tpu.region"() ({
      %run_scoped3A = tpu.sem_alloc : memref<!tpu.dma_semaphore, #tpu.memory_space<semaphore_mem>>
      %dma_start3A = arith.constant 0 : i32
      %dma_start3A_15 = tpu.memref_slice %arg6[%arg0, %mul3A_14, %dma_start3A] : memref<2x10112x32xf32, #tpu.memory_space<hbm>> -> memref<1x632x32xf32, #tpu.memory_space<hbm>>
      %dma_start3A_16 = tpu.memref_squeeze %dma_start3A_15 : memref<1x632x32xf32, #tpu.memory_space<hbm>> -> memref<632x32xf32, #tpu.memory_space<hbm>>
      %dma_start3A_17 = arith.constant 0 : i32
      %dma_start3A_18 = tpu.memref_slice %arg10[%mul3A_12, %dma_start3A_17] : memref<10112x32xf32, #tpu.memory_space<vmem_shared>> -> memref<632x32xf32, #tpu.memory_space<vmem_shared>>
      tpu.enqueue_dma source(%dma_start3A_18 : memref<632x32xf32, #tpu.memory_space<vmem_shared>>) target(%dma_start3A_16 : memref<632x32xf32, #tpu.memory_space<hbm>>) target_semaphore(%run_scoped3A : memref<!tpu.dma_semaphore, #tpu.memory_space<semaphore_mem>>)
      %dma_wait3A = arith.constant 0 : i32
      %dma_wait3A_19 = tpu.memref_slice %arg6[%arg0, %mul3A_14, %dma_wait3A] : memref<2x10112x32xf32, #tpu.memory_space<hbm>> -> memref<1x632x32xf32, #tpu.memory_space<hbm>>
      %dma_wait3A_20 = tpu.memref_squeeze %dma_wait3A_19 : memref<1x632x32xf32, #tpu.memory_space<hbm>> -> memref<632x32xf32, #tpu.memory_space<hbm>>
      %dma_wait3A_21 = arith.constant 0 : i32
      %dma_wait3A_22 = tpu.memref_slice %arg10[%mul3A_12, %dma_wait3A_21] : memref<10112x32xf32, #tpu.memory_space<vmem_shared>> -> memref<632x32xf32, #tpu.memory_space<vmem_shared>>
      tpu.wait_dma2 semaphore(%run_scoped3A : memref<!tpu.dma_semaphore, #tpu.memory_space<semaphore_mem>>) src(%dma_wait3A_22 : memref<632x32xf32, #tpu.memory_space<vmem_shared>>) dst(%dma_wait3A_20 : memref<632x32xf32, #tpu.memory_space<hbm>>)
      tpu.yield
    }) : () -> ()
    return
  }
}

module attributes {stable_mosaic.version = 14 : i64} {
  func.func @_mm0_body(%arg0: memref<10000x128xf32, #tpu.memory_space<vmem>>, %arg1: memref<128x32xf32, #tpu.memory_space<vmem>>, %arg2: memref<10000x32xf32, #tpu.memory_space<vmem>>) attributes {dimension_semantics = [], scalar_prefetch = 0 : i64, scratch_operands = 0 : i64, tpu.core_type = #tpu.core_type<tc>} {
    %get3A = arith.constant 0 : index
    %get3A_0 = arith.constant 0 : index
    %get3A_1 = vector.load %arg0[%get3A, %get3A_0] : memref<10000x128xf32, #tpu.memory_space<vmem>>, vector<10000x128xf32>
    %get3A_2 = arith.constant 0 : index
    %get3A_3 = arith.constant 0 : index
    %get3A_4 = vector.load %arg1[%get3A_2, %get3A_3] : memref<128x32xf32, #tpu.memory_space<vmem>>, vector<128x32xf32>
    %dot_general3A = arith.constant dense<0.000000e+00> : vector<10000x32xf32>
    %dot_general3A_5 = tpu.matmul %get3A_1, %get3A_4, %dot_general3A {dimension_numbers = #tpu.dot_dimension_numbers<[1], [0], [0], [1], [0, 0, 1, 1], [], []>, transpose_lhs_hint = false} : vector<10000x128xf32>, vector<128x32xf32>, vector<10000x32xf32> -> vector<10000x32xf32>
    %swap3A = arith.constant 0 : index
    %swap3A_6 = arith.constant 0 : index
    %swap3A_7 = vector.load %arg2[%swap3A, %swap3A_6] : memref<10000x32xf32, #tpu.memory_space<vmem>>, vector<10000x32xf32>
    tpu.vector_store %arg2[%swap3A, %swap3A_6], %dot_general3A_5 {strides = array<i32>} : memref<10000x32xf32, #tpu.memory_space<vmem>>, vector<10000x32xf32>,
    return
  }
}

module attributes {stable_mosaic.version = 14 : i64} {
  func.func @_stage_body(%arg0: memref<10000x32xf32, #tpu.memory_space<vmem>>, %arg1: memref<2x10112x32xf32, #tpu.memory_space<vmem>>, %arg2: memref<1x32xf32, #tpu.memory_space<vmem>>, %arg3: memref<32x32xf32, #tpu.memory_space<vmem>>, %arg4: memref<1x32xf32, #tpu.memory_space<vmem>>, %arg5: memref<1x32xf32, #tpu.memory_space<vmem>>, %arg6: memref<1x32xf32, #tpu.memory_space<vmem>>, %arg7: memref<32x32xf32, #tpu.memory_space<vmem>>, %arg8: memref<10000x32xf32, #tpu.memory_space<vmem>>) attributes {dimension_semantics = [], scalar_prefetch = 0 : i64, scratch_operands = 0 : i64, tpu.core_type = #tpu.core_type<tc>} {
    %get3A = arith.constant 0 : index
    %get3A_0 = arith.constant 0 : index
    %get3A_1 = arith.constant 0 : index
    %get3A_2 = vector.load %arg1[%get3A, %get3A_0, %get3A_1] : memref<2x10112x32xf32, #tpu.memory_space<vmem>>, vector<1x10112x32xf32>
    %get3A_3 = vector.shape_cast %get3A_2 : vector<1x10112x32xf32> to vector<10112x32xf32>
    %get3A_4 = arith.constant 1 : index
    %get3A_5 = arith.constant 0 : index
    %get3A_6 = arith.constant 0 : index
    %get3A_7 = vector.load %arg1[%get3A_4, %get3A_5, %get3A_6] : memref<2x10112x32xf32, #tpu.memory_space<vmem>>, vector<1x10112x32xf32>
    %get3A_8 = vector.shape_cast %get3A_7 : vector<1x10112x32xf32> to vector<10112x32xf32>
    %add3A = arith.addf %get3A_3, %get3A_8 : vector<10112x32xf32>
    %slice3A = vector.extract_strided_slice %add3A {offsets = [0, 0], sizes = [10000, 32], strides = [1, 1]} : vector<10112x32xf32> to vector<10000x32xf32>
    %get3A_9 = arith.constant 0 : index
    %get3A_10 = arith.constant 0 : index
    %get3A_11 = vector.load %arg0[%get3A_9, %get3A_10] : memref<10000x32xf32, #tpu.memory_space<vmem>>, vector<10000x32xf32>
    %add3A_12 = arith.addf %get3A_11, %slice3A : vector<10000x32xf32>
    %get3A_13 = arith.constant 0 : index
    %get3A_14 = arith.constant 0 : index
    %get3A_15 = vector.load %arg2[%get3A_13, %get3A_14] : memref<1x32xf32, #tpu.memory_space<vmem>>, vector<1x32xf32>
    %add3A_16 = vector.broadcast %get3A_15 : vector<1x32xf32> to vector<10000x32xf32>
    %add3A_17 = arith.addf %add3A_12, %add3A_16 : vector<10000x32xf32>
    %max3A = arith.constant 0.000000e+00 : f32
    %max3A_18 = vector.broadcast %max3A : f32 to vector<10000x32xf32>
    %max3A_19 = arith.maximumf %add3A_17, %max3A_18 : vector<10000x32xf32>
    %get3A_20 = arith.constant 0 : index
    %get3A_21 = arith.constant 0 : index
    %get3A_22 = vector.load %arg3[%get3A_20, %get3A_21] : memref<32x32xf32, #tpu.memory_space<vmem>>, vector<32x32xf32>
    %dot_general3A = arith.constant dense<0.000000e+00> : vector<10000x32xf32>
    %dot_general3A_23 = tpu.matmul %max3A_19, %get3A_22, %dot_general3A {dimension_numbers = #tpu.dot_dimension_numbers<[1], [0], [0], [1], [0, 0, 1, 1], [], []>, transpose_lhs_hint = false} : vector<10000x32xf32>, vector<32x32xf32>, vector<10000x32xf32> -> vector<10000x32xf32>
    %get3A_24 = arith.constant 0 : index
    %get3A_25 = arith.constant 0 : index
    %get3A_26 = vector.load %arg4[%get3A_24, %get3A_25] : memref<1x32xf32, #tpu.memory_space<vmem>>, vector<1x32xf32>
    %add3A_27 = vector.broadcast %get3A_26 : vector<1x32xf32> to vector<10000x32xf32>
    %add3A_28 = arith.addf %dot_general3A_23, %add3A_27 : vector<10000x32xf32>
    %max3A_29 = arith.constant 0.000000e+00 : f32
    %max3A_30 = vector.broadcast %max3A_29 : f32 to vector<10000x32xf32>
    %max3A_31 = arith.maximumf %add3A_28, %max3A_30 : vector<10000x32xf32>
    %get3A_32 = arith.constant 0 : index
    %get3A_33 = arith.constant 0 : index
    %get3A_34 = vector.load %arg5[%get3A_32, %get3A_33] : memref<1x32xf32, #tpu.memory_space<vmem>>, vector<1x32xf32>
    %mul3A = arith.constant 0.999994993 : f32
    %mul3A_35 = vector.broadcast %mul3A : f32 to vector<1x32xf32>
    %mul3A_36 = arith.mulf %get3A_34, %mul3A_35 : vector<1x32xf32>
    %mul3A_37 = vector.broadcast %mul3A_36 : vector<1x32xf32> to vector<10000x32xf32>
    %mul3A_38 = arith.mulf %max3A_31, %mul3A_37 : vector<10000x32xf32>
    %get3A_39 = arith.constant 0 : index
    %get3A_40 = arith.constant 0 : index
    %get3A_41 = vector.load %arg6[%get3A_39, %get3A_40] : memref<1x32xf32, #tpu.memory_space<vmem>>, vector<1x32xf32>
    %add3A_42 = vector.broadcast %get3A_41 : vector<1x32xf32> to vector<10000x32xf32>
    %add3A_43 = arith.addf %mul3A_38, %add3A_42 : vector<10000x32xf32>
    %get3A_44 = arith.constant 0 : index
    %get3A_45 = arith.constant 0 : index
    %get3A_46 = vector.load %arg7[%get3A_44, %get3A_45] : memref<32x32xf32, #tpu.memory_space<vmem>>, vector<32x32xf32>
    %dot_general3A_47 = arith.constant dense<0.000000e+00> : vector<10000x32xf32>
    %dot_general3A_48 = tpu.matmul %add3A_43, %get3A_46, %dot_general3A_47 {dimension_numbers = #tpu.dot_dimension_numbers<[1], [0], [0], [1], [0, 0, 1, 1], [], []>, transpose_lhs_hint = false} : vector<10000x32xf32>, vector<32x32xf32>, vector<10000x32xf32> -> vector<10000x32xf32>
    %swap3A = arith.constant 0 : index
    %swap3A_49 = arith.constant 0 : index
    %swap3A_50 = vector.load %arg8[%swap3A, %swap3A_49] : memref<10000x32xf32, #tpu.memory_space<vmem>>, vector<10000x32xf32>
    tpu.vector_store %arg8[%swap3A, %swap3A_49], %dot_general3A_48 {strides = array<i32>} : memref<10000x32xf32, #tpu.memory_space<vmem>>, vector<10000x32xf32>,
    return
  }
}

module attributes {stable_mosaic.version = 14 : i64} {
  func.func @_final_body(%arg0: memref<10000x32xf32, #tpu.memory_space<vmem>>, %arg1: memref<2x10112x32xf32, #tpu.memory_space<vmem>>, %arg2: memref<1x32xf32, #tpu.memory_space<vmem>>, %arg3: memref<32x32xf32, #tpu.memory_space<vmem>>, %arg4: memref<1x32xf32, #tpu.memory_space<vmem>>, %arg5: memref<1x32xf32, #tpu.memory_space<vmem>>, %arg6: memref<1x32xf32, #tpu.memory_space<vmem>>, %arg7: memref<1x10000xi32, #tpu.memory_space<vmem>>, %arg8: memref<32x32xf32, #tpu.memory_space<vmem>>, %arg9: memref<1x32xf32, #tpu.memory_space<vmem>>, %arg10: memref<32x2xf32, #tpu.memory_space<vmem>>, %arg11: memref<1x2xf32, #tpu.memory_space<vmem>>, %arg12: memref<256x2xf32, #tpu.memory_space<vmem>>) attributes {dimension_semantics = [], scalar_prefetch = 0 : i64, scratch_operands = 0 : i64, tpu.core_type = #tpu.core_type<tc>} {
    %get3A = arith.constant 0 : index
    %get3A_0 = arith.constant 0 : index
    %get3A_1 = arith.constant 0 : index
    %get3A_2 = vector.load %arg1[%get3A, %get3A_0, %get3A_1] : memref<2x10112x32xf32, #tpu.memory_space<vmem>>, vector<1x10112x32xf32>
    %get3A_3 = vector.shape_cast %get3A_2 : vector<1x10112x32xf32> to vector<10112x32xf32>
    %get3A_4 = arith.constant 1 : index
    %get3A_5 = arith.constant 0 : index
    %get3A_6 = arith.constant 0 : index
    %get3A_7 = vector.load %arg1[%get3A_4, %get3A_5, %get3A_6] : memref<2x10112x32xf32, #tpu.memory_space<vmem>>, vector<1x10112x32xf32>
    %get3A_8 = vector.shape_cast %get3A_7 : vector<1x10112x32xf32> to vector<10112x32xf32>
    %add3A = arith.addf %get3A_3, %get3A_8 : vector<10112x32xf32>
    %slice3A = vector.extract_strided_slice %add3A {offsets = [0, 0], sizes = [10000, 32], strides = [1, 1]} : vector<10112x32xf32> to vector<10000x32xf32>
    %get3A_9 = arith.constant 0 : index
    %get3A_10 = arith.constant 0 : index
    %get3A_11 = vector.load %arg0[%get3A_9, %get3A_10] : memref<10000x32xf32, #tpu.memory_space<vmem>>, vector<10000x32xf32>
    %add3A_12 = arith.addf %get3A_11, %slice3A : vector<10000x32xf32>
    %get3A_13 = arith.constant 0 : index
    %get3A_14 = arith.constant 0 : index
    %get3A_15 = vector.load %arg2[%get3A_13, %get3A_14] : memref<1x32xf32, #tpu.memory_space<vmem>>, vector<1x32xf32>
    %add3A_16 = vector.broadcast %get3A_15 : vector<1x32xf32> to vector<10000x32xf32>
    %add3A_17 = arith.addf %add3A_12, %add3A_16 : vector<10000x32xf32>
    %max3A = arith.constant 0.000000e+00 : f32
    %max3A_18 = vector.broadcast %max3A : f32 to vector<10000x32xf32>
    %max3A_19 = arith.maximumf %add3A_17, %max3A_18 : vector<10000x32xf32>
    %get3A_20 = arith.constant 0 : index
    %get3A_21 = arith.constant 0 : index
    %get3A_22 = vector.load %arg3[%get3A_20, %get3A_21] : memref<32x32xf32, #tpu.memory_space<vmem>>, vector<32x32xf32>
    %dot_general3A = arith.constant dense<0.000000e+00> : vector<10000x32xf32>
    %dot_general3A_23 = tpu.matmul %max3A_19, %get3A_22, %dot_general3A {dimension_numbers = #tpu.dot_dimension_numbers<[1], [0], [0], [1], [0, 0, 1, 1], [], []>, transpose_lhs_hint = false} : vector<10000x32xf32>, vector<32x32xf32>, vector<10000x32xf32> -> vector<10000x32xf32>
    %get3A_24 = arith.constant 0 : index
    %get3A_25 = arith.constant 0 : index
    %get3A_26 = vector.load %arg4[%get3A_24, %get3A_25] : memref<1x32xf32, #tpu.memory_space<vmem>>, vector<1x32xf32>
    %add3A_27 = vector.broadcast %get3A_26 : vector<1x32xf32> to vector<10000x32xf32>
    %add3A_28 = arith.addf %dot_general3A_23, %add3A_27 : vector<10000x32xf32>
    %max3A_29 = arith.constant 0.000000e+00 : f32
    %max3A_30 = vector.broadcast %max3A_29 : f32 to vector<10000x32xf32>
    %max3A_31 = arith.maximumf %add3A_28, %max3A_30 : vector<10000x32xf32>
    %get3A_32 = arith.constant 0 : index
    %get3A_33 = arith.constant 0 : index
    %get3A_34 = vector.load %arg5[%get3A_32, %get3A_33] : memref<1x32xf32, #tpu.memory_space<vmem>>, vector<1x32xf32>
    %mul3A = arith.constant 0.999994993 : f32
    %mul3A_35 = vector.broadcast %mul3A : f32 to vector<1x32xf32>
    %mul3A_36 = arith.mulf %get3A_34, %mul3A_35 : vector<1x32xf32>
    %mul3A_37 = vector.broadcast %mul3A_36 : vector<1x32xf32> to vector<10000x32xf32>
    %mul3A_38 = arith.mulf %max3A_31, %mul3A_37 : vector<10000x32xf32>
    %get3A_39 = arith.constant 0 : index
    %get3A_40 = arith.constant 0 : index
    %get3A_41 = vector.load %arg6[%get3A_39, %get3A_40] : memref<1x32xf32, #tpu.memory_space<vmem>>, vector<1x32xf32>
    %add3A_42 = vector.broadcast %get3A_41 : vector<1x32xf32> to vector<10000x32xf32>
    %add3A_43 = arith.addf %mul3A_38, %add3A_42 : vector<10000x32xf32>
    %iota3A = tpu.iota {dimensions = array<i32: 0>} : vector<256x10000xi32>
    %get3A_44 = arith.constant 0 : index
    %get3A_45 = arith.constant 0 : index
    %get3A_46 = vector.load %arg7[%get3A_44, %get3A_45] : memref<1x10000xi32, #tpu.memory_space<vmem>>, vector<1x10000xi32>
    %eq3A = vector.broadcast %get3A_46 : vector<1x10000xi32> to vector<256x10000xi32>
    %eq3A_47 = arith.cmpi eq, %iota3A, %eq3A : vector<256x10000xi32>
    %convert_element_type3A = arith.extui %eq3A_47 : vector<256x10000xi1> to vector<256x10000xi32>
    %convert_element_type3A_48 = arith.sitofp %convert_element_type3A : vector<256x10000xi32> to vector<256x10000xf32>
    %dot_general3A_49 = arith.constant dense<0.000000e+00> : vector<256x32xf32>
    %dot_general3A_50 = tpu.matmul %convert_element_type3A_48, %add3A_43, %dot_general3A_49 {dimension_numbers = #tpu.dot_dimension_numbers<[1], [0], [0], [1], [0, 0, 1, 1], [], []>, transpose_lhs_hint = false} : vector<256x10000xf32>, vector<10000x32xf32>, vector<256x32xf32> -> vector<256x32xf32>
    %get3A_51 = arith.constant 0 : index
    %get3A_52 = arith.constant 0 : index
    %get3A_53 = vector.load %arg8[%get3A_51, %get3A_52] : memref<32x32xf32, #tpu.memory_space<vmem>>, vector<32x32xf32>
    %dot_general3A_54 = arith.constant dense<0.000000e+00> : vector<256x32xf32>
    %dot_general3A_55 = tpu.matmul %dot_general3A_50, %get3A_53, %dot_general3A_54 {dimension_numbers = #tpu.dot_dimension_numbers<[1], [0], [0], [1], [0, 0, 1, 1], [], []>, transpose_lhs_hint = false} : vector<256x32xf32>, vector<32x32xf32>, vector<256x32xf32> -> vector<256x32xf32>
    %get3A_56 = arith.constant 0 : index
    %get3A_57 = arith.constant 0 : index
    %get3A_58 = vector.load %arg9[%get3A_56, %get3A_57] : memref<1x32xf32, #tpu.memory_space<vmem>>, vector<1x32xf32>
    %add3A_59 = vector.broadcast %get3A_58 : vector<1x32xf32> to vector<256x32xf32>
    %add3A_60 = arith.addf %dot_general3A_55, %add3A_59 : vector<256x32xf32>
    %max3A_61 = arith.constant 0.000000e+00 : f32
    %max3A_62 = vector.broadcast %max3A_61 : f32 to vector<256x32xf32>
    %max3A_63 = arith.maximumf %add3A_60, %max3A_62 : vector<256x32xf32>
    %get3A_64 = arith.constant 0 : index
    %get3A_65 = arith.constant 0 : index
    %get3A_66 = vector.load %arg10[%get3A_64, %get3A_65] : memref<32x2xf32, #tpu.memory_space<vmem>>, vector<32x2xf32>
    %dot_general3A_67 = arith.constant dense<0.000000e+00> : vector<256x2xf32>
    %dot_general3A_68 = tpu.matmul %max3A_63, %get3A_66, %dot_general3A_67 {dimension_numbers = #tpu.dot_dimension_numbers<[1], [0], [0], [1], [0, 0, 1, 1], [], []>, transpose_lhs_hint = false} : vector<256x32xf32>, vector<32x2xf32>, vector<256x2xf32> -> vector<256x2xf32>
    %get3A_69 = arith.constant 0 : index
    %get3A_70 = arith.constant 0 : index
    %get3A_71 = vector.load %arg11[%get3A_69, %get3A_70] : memref<1x2xf32, #tpu.memory_space<vmem>>, vector<1x2xf32>
    %add3A_72 = vector.broadcast %get3A_71 : vector<1x2xf32> to vector<256x2xf32>
    %add3A_73 = arith.addf %dot_general3A_68, %add3A_72 : vector<256x2xf32>
    %reduce_max3A = arith.constant dense<0xFF800000> : vector<256xf32>
    %reduce_max3A_74 = vector.multi_reduction <maximumf>, %add3A_73, %reduce_max3A [1] : vector<256x2xf32> to vector<256xf32>
    %broadcast_in_dim3A = vector.shape_cast %reduce_max3A_74 : vector<256xf32> to vector<256x1xf32>
    %sub3A = vector.broadcast %broadcast_in_dim3A : vector<256x1xf32> to vector<256x2xf32>
    %sub3A_75 = arith.subf %add3A_73, %sub3A : vector<256x2xf32>
    %exp3A = math.exp %sub3A_75 : vector<256x2xf32>
    %reduce_sum3A = arith.constant dense<0.000000e+00> : vector<256xf32>
    %reduce_sum3A_76 = vector.multi_reduction <add>, %exp3A, %reduce_sum3A [1] : vector<256x2xf32> to vector<256xf32>
    %broadcast_in_dim3A_77 = vector.shape_cast %reduce_sum3A_76 : vector<256xf32> to vector<256x1xf32>
    %log3A = math.log %broadcast_in_dim3A_77 : vector<256x1xf32>
    %add3A_78 = arith.addf %broadcast_in_dim3A, %log3A : vector<256x1xf32>
    %sub3A_79 = vector.broadcast %add3A_78 : vector<256x1xf32> to vector<256x2xf32>
    %sub3A_80 = arith.subf %add3A_73, %sub3A_79 : vector<256x2xf32>
    %swap3A = arith.constant 0 : index
    %swap3A_81 = arith.constant 0 : index
    %swap3A_82 = vector.load %arg12[%swap3A, %swap3A_81] : memref<256x2xf32, #tpu.memory_space<vmem>>, vector<256x2xf32>
    tpu.vector_store %arg12[%swap3A, %swap3A_81], %sub3A_80 {strides = array<i32>} : memref<256x2xf32, #tpu.memory_space<vmem>>, vector<256x2xf32>,
    return
  }
}

</mosaic_0001>

<sc_bundles>
// kernel: kernel.13.cloned.1.call-start
scs
__scs_entry_jumppad:
0x0: {  	(pc) =	sbr.rel $0x88, $3  }
0x1: {  	(tag) =	ssettag $0x0;
	lr =	simm.s32 $0x1  }
0x2: {  	[smem:$0x3F7C] =	sst lr;
	_ =	strace $0xD0000000  }
0x3: {  	_ = 	snop  }
0x4: {  	_ = 	snop  }
0x5: {  	_ = 	snop  }
0x6: {  	_ = 	snop  }
0x7: {  	_ = 	snop  }
__scs_overlays_trampoline_lowered:
0x8: {  	[smem:$0x3F8B] =	sst s0  }
0x9: {  	[smem:$0x3F8C] =	sst s1  }
0xa: {  	[smem:$0x3F8D] =	sst s2  }
0xb: {  	[smem:$0x3F8E] =	sst s3  }
0xc: {  	[smem:$0x3F8F] =	sst s4  }
0xd: {  	[smem:$0x3F90] =	sst s5  }
0xe: {  	[smem:$0x3F91] =	sst s6  }
0xf: {  	[smem:$0x3F92] =	sst s7  }
0x10: {  	[smem:$0x3F93] =	sst s8  }
0x11: {  	[smem:$0x3F94] =	sst s9;
	s0 =	simm.s32 @!p0 $0x0  }
0x12: {  	s1 =	sld [smem:$0x3F7A];
	s0 =	simm.s32 @p0 $0x1  }
0x13: {  	[smem:$0x3F95] =	sst s0;
	s0 =	simm.s32 @!p1 $0x0  }
0x14: {  	s2 =	sld [smem:$0x3F79];
	s0 =	simm.s32 @p1 $0x1  }
0x15: {  	[smem:$0x3F96] =	sst s0;
	s0 =	simm.s32 @!p2 $0x0  }
0x16: {  	s3 =	sld [smem:$0x3FDB];
	s0 =	simm.s32 @p2 $0x1  }
0x17: {  	s4 =	simm.s32 $0x1BF5;
	[smem:$0x3F98] =	sst s0  }
0x18: {  	s0 =	sld [smem:$0x3F7B];
	_ =	swait.ge [sflag:s4], $0x0  }
0x19: {  	s7 =	sld [smem:$0x3F7C]  }
0x1a: {  	s8 =	sadd.s32 $0xFFFFE003, lr  }
0x1b: {  	s9 =	sadd.s32 $0xFFFFFEF7, lr;
	s5 =	simm.s32 $0xFFFFFFFF;
	p2 =	slt.u32 s8, $0xFFFFF086  }
0x1c: {  	p1 =	slt.u32 s9, $0xF7A;
	s5 =	simm.s32 @!p2 $0x0  }
0x1d: {  	s5 =	simm.s32 @p1 $0x1;
	p0 =	seq.s32 s7, s2  }
0x1e: {  	s7 =	smul.u32 @!p0 $0xF7A, s2;
	p2 =	seq.s32 @!p0 s5, $0x0  }
0x1f: {  	s9 =	smul.u32 $0xF7A, s1;
	s8 =	simm.s32 @!p0 $0x1BF5;
	p2 =	por !p2, p0  }
0x20: {  	[sflag:s8] =	ssyncset.s32 @!p0 $0xFFFFF086;
	s6 =	sadd.s32 @!p0 s3, s7;
	s7 =	simm.s32 @!p0 $0x108  }
0x21: {  	s3 =	sadd.s32 s3, s9;
	s6 =	sadd.s32 @!p0 $0x88, s6;
	s7 =	simm.s32 @p2 $0x1082  }
0x22: {  	[simem:s7], [sflag:s8] =	dma.local @!p0 [hbm:s6], $0xF7A  }
0x23: {  	s9 =	sor.u32 $0xD0000000, s2;
	s6 =	simm.s32 $0x108;
	_ =	swait.ge @!p0 [sflag:s8], $0x0  }
0x24: {  	s3 =	sadd.s32 $0x88, s3;
	s6 =	simm.s32 @!p1 $0x1082;
	[sflag:s4] =	ssyncset.s32 $0xFFFFF086  }
0x25: {  	[simem:s6], [sflag:s4] =	dma.local [hbm:s3], $0xF7A  }
0x26: {  	[smem:$0x3F7C] =	sst s1;
	(tag) =	ssettag s2;
	_ =	strace s9  }
0x27: {  	s1 =	sld [smem:$0x3F8C]  }
0x28: {  	s2 =	sld [smem:$0x3F8D]  }
0x29: {  	s4 =	sld [smem:$0x3F8F]  }
0x2a: {  	p0 =	seq.s32 s5, $0x0;
	s5 =	sld [smem:$0x3F90]  }
0x2b: {  	s6 =	sld [smem:$0x3F91]  }
0x2c: {  	s7 =	sld [smem:$0x3F92]  }
0x2d: {  	s3 =	simm.s32 $0x108;
	s8 =	sld [smem:$0x3F93]  }
0x2e: {  	s3 =	simm.s32 @!p0 $0x1082;
	s9 =	sld [smem:$0x3F94]  }
0x2f: {  	lr =	sadd.s32 s0, s3;
	s0 =	sld [smem:$0x3F8B]  }
0x30: {  	s3 =	sld [smem:$0x3F8E]  }
0x31: {  	[smem:$0x3F97] =	sst s10  }
0x32: {  	s10 =	sld [smem:$0x3F95];
	_ =	sdelay $0x3  }
0x33: {  	p0 =	seq.s32 s10, $0x1;
	s10 =	sld [smem:$0x3F97];
	_ =	sdelay $0x3  }
0x34: {  	[smem:$0x3F97] =	sst s10  }
0x35: {  	s10 =	sld [smem:$0x3F96];
	_ =	sdelay $0x3  }
0x36: {  	p1 =	seq.s32 s10, $0x1;
	s10 =	sld [smem:$0x3F97];
	_ =	sdelay $0x3  }
0x37: {  	[smem:$0x3F97] =	sst s10  }
0x38: {  	s10 =	sld [smem:$0x3F98]  }
0x39: {  	_ = 	snop;
	(pc) =	sbr.ind lr, $3  }
0x3a: {  	_ = 	snop  }
0x3b: {  	_ = 	snop  }
0x3c: {  	p2 =	seq.s32 s10, $0x1;
	s10 =	sld [smem:$0x3F97]  }
0x3d: {  	_ =	shalt  }
0x3e: {  	_ =	shalt  }
0x3f: {  	_ =	shalt  }
0x40: {  	_ =	shalt  }
0x41: {  	_ =	shalt  }
0x42: {  	_ =	shalt  }
0x43: {  	_ =	shalt  }
0x44: {  	_ =	shalt  }
0x45: {  	_ =	shalt  }
0x46: {  	_ =	shalt  }
0x47: {  	_ =	shalt  }
0x48: {  	_ =	shalt  }
0x49: {  	_ =	shalt  }
0x4a: {  	_ =	shalt  }
0x4b: {  	_ =	shalt  }
0x4c: {  	_ =	shalt  }
0x4d: {  	_ =	shalt  }
0x4e: {  	_ =	shalt  }
0x4f: {  	_ =	shalt  }
0x50: {  	_ =	shalt  }
0x51: {  	_ =	shalt  }
0x52: {  	_ =	shalt  }
0x53: {  	_ =	shalt  }
0x54: {  	_ =	shalt  }
0x55: {  	_ =	shalt  }
0x56: {  	_ =	shalt  }
0x57: {  	_ =	shalt  }
0x58: {  	_ =	shalt  }
0x59: {  	_ =	shalt  }
0x5a: {  	_ =	shalt  }
0x5b: {  	_ =	shalt  }
0x5c: {  	_ =	shalt  }
0x5d: {  	_ =	shalt  }
0x5e: {  	_ =	shalt  }
0x5f: {  	_ =	shalt  }
0x60: {  	_ =	shalt  }
0x61: {  	_ =	shalt  }
0x62: {  	_ =	shalt  }
0x63: {  	_ =	shalt  }
0x64: {  	_ =	shalt  }
0x65: {  	_ =	shalt  }
0x66: {  	_ =	shalt  }
0x67: {  	_ =	shalt  }
0x68: {  	_ =	shalt  }
0x69: {  	_ =	shalt  }
0x6a: {  	_ =	shalt  }
0x6b: {  	_ =	shalt  }
0x6c: {  	_ =	shalt  }
0x6d: {  	_ =	shalt  }
0x6e: {  	_ =	shalt  }
0x6f: {  	_ =	shalt  }
0x70: {  	_ =	shalt  }
0x71: {  	_ =	shalt  }
0x72: {  	_ =	shalt  }
0x73: {  	_ =	shalt  }
0x74: {  	_ =	shalt  }
0x75: {  	_ =	shalt  }
0x76: {  	_ =	shalt  }
0x77: {  	_ =	shalt  }
0x78: {  	_ =	shalt  }
0x79: {  	_ =	shalt  }
0x7a: {  	_ =	shalt  }
0x7b: {  	_ =	shalt  }
0x7c: {  	_ =	shalt  }
0x7d: {  	_ =	shalt  }
0x7e: {  	_ =	shalt  }
0x7f: {  	_ =	shalt  }
0x80: {  	_ =	shalt  }
0x81: {  	_ =	shalt  }
0x82: {  	_ =	shalt  }
0x83: {  	_ =	shalt  }
0x84: {  	_ =	shalt  }
0x85: {  	_ =	shalt  }
0x86: {  	_ =	shalt  }
0x87: {  	_ =	shalt  }
.Lfunc_end0:
.L_simem_size_0:
called_computation_lowered:
.L_overlay_start_0:
0x88: {  	s2 =	sld [smem:$0x3FD9]  }
0x89: {  	s3 =	sld [smem:$0x3FFE];
	_ =	sdelay $0x1  }
0x8a: {  	s1 =	srdreg.scid  }
0x8b: {  	s0 =	sand.u32 $0x1, s1  }
0x8c: {  	s16 =	sshll.u32 s0, $0xA;
	s2 =	sadd.s32 s3, s2  }
0x8d: {  	s2 =	sadd.s32 s2, s16  }
0x8e: {  	[smem:$0x3FA3] =	sst s2  }
0x8f: {  	_ = 	snop  }
0x90: {  	(tm) =	ssettm $0x1  }
0x91: {  	s17 =	sld [smem:$0x3FFB];
	_ =	sdelay $0x3  }
0x92: {  	_ =	strace s17  }
0x93: {  	s2 =	sld [smem:$0x3FFC];
	_ =	sdelay $0x3  }
0x94: {  	_ =	strace s2  }
0x95: {  	s2 =	sld [smem:$0x3FFD];
	_ =	sdelay $0x3  }
0x96: {  	_ =	strace s2  }
0x97: {  	_ =	strace $0x8FFFFFFF  }
0x98: {  	s18 =	sld [smem:$0x3FDB];
	_ =	sdelay $0x1  }
0x99: {  	s19 =	simm.s32 $_scs_section_size  }
0x9a: {  	s4 =	simm.s32 $_size__tile_overlayer_lowered;
	s5 =	simm.s32 $_tile_overlayer_lowered  }
0x9b: {  	s22 =	simm.s32 $0x1BFF;
	s21 =	sshll.u32 s5, $0x1;
	s2 =	sadd.s32 s19, s18  }
0x9c: {  	s6 =	simm.s32 $0x0;
	s20 =	sshll.u32 s4, $0x1;
	s4 =	sadd.s32 s21, s2  }
0x9d: {  	[timem:s6], [sflag:s22] =	dma.local [hbm:s4], s20  }
0x9e: {  	_ =	swait.ge [sflag:s22], s20  }
0x9f: {  	s3 =	ssub.s32 $0x0, s20;
	[sflag:s22] =	ssyncset.done $0x0  }
0xa0: {  	[sflag:s22] =	ssyncadd.s32 s3;
	_ =	sdelay $0x1  }
0xa1: {  	s23 =	simm.s32 $0x1B8B  }
0xa2: {  	_ =	swait.ge [sflag:s23], $0x1  }
0xa3: {  	[sflag:s23] =	ssyncset.done $0x0  }
0xa4: {  	s25 =	simm.s32 $0x1B8E;
	s24 =	sld [smem:$0x3FFE];
	[sflag:s23] =	ssyncadd.s32 $0xFFFFFFFF  }
0xa5: {  	s26 =	simm.s32 $execute0_lowered;
	[smem:$0x3FD2] =	sst s25  }
0xa6: {  	s4 =	sshll.u32 s26, $0x1;
	_ =	strace $0x80000046;
	[dreg:$0x1] =	wrdreg $0xFFFFFFFF  }
0xa7: {  	s28 =	simm.s32 $_size_execute0_lowered;
	s2 =	sadd.s32 s2, s4;
	[dreg:$0x0] =	wrdreg $0x0  }
0xa8: {  	s4 =	sshll.u32 s28, $0x1;
	[dreg:$0x2] =	wrdreg s2  }
0xa9: {  	[dreg:$0x3] =	wrdreg s4  }
0xaa: {  	[dreg:$0x4] =	wrdreg $0xC0  }
0xab: {  	_ =	task [dreg:s6], $0x5FFFF  }
0xac: {  	[dreg:$0x1] =	wrdreg $0xFFFFFFFF  }
0xad: {  	[dreg:$0x0] =	wrdreg $0x60  }
0xae: {  	[dreg:$0x2] =	wrdreg s24  }
0xaf: {  	[dreg:$0x3] =	wrdreg $0x5F000  }
0xb0: {  	[dreg:$0x4] =	wrdreg $0x9  }
0xb1: {  	_ =	task.clear_ibuf [dreg:s6], $0x5FFFF;
	_ =	strace $0x90000046  }
0xb2: {  	s29 =	simm.s32 $0x9;
	_ =	strace $0x80000048  }
0xb3: {  	_ =	swait.ge [sflag:s29], $0x1  }
0xb4: {  	[sflag:s29] =	ssyncadd.s32 $0xFFFFFFFF  }
0xb5: {  	_ =	strace $0x90000048  }
0xb6: {  	_ =	sfence  }
0xb7: {  	s30 =	sld [smem:$0x0];
	_ =	sdelay $0x2  }
0xb8: {  	s31 =	sshll.u32 s1, $0xD;
	s1 =	sshrl.u32 s1, $0x2  }
0xb9: {  	s3 =	sand.u32 $0x4000, s31;
	s1 =	sadd.s32 s1, s30  }
0xba: {  	s0 =	sor.u32 s3, s0;
	s1 =	sshll.u32 s1, $0x11  }
0xbb: {  	s0 =	sor.u32 s1, s0  }
0xbc: {  	s0 =	sadd.s32 $0x8F2B, s0  }
0xbd: {  	[sflag:s0] =	ssyncadd.remote.s32 $0x1  }
0xbe: {  	_ =	sfence.sel $0xFFFF  }
0xbf: {  	[dreg:$0x0] =	wrdreg $0xFFFFFFFF;
	(pc) =	sbr.abs _section_cstart, $3  }
0xc0: {  	[dreg:$0x1] =	wrdreg $0xFFFFFFFF  }
0xc1: {  	_ =	task.clear_ibuf [dreg:s6], $0x2FFFF;
	_ =	strace $0x9FFFFFFF  }
0xc2: {  	(tm) =	ssettm $0x7FFFFFFF  }
0xc3: {  	_ =	shalt  }
tec
execute0_lowered:
.L_overlay_start_1:
0x0: {  	(tag) =	ssettag $0x1  }
0x1: {  	s6 =	rddreg [dreg:$0x0]  }
0x2: {  	s0 =	srdreg.scid;
	s2 =	rddreg [dreg:$0x1]  }
0x3: {  	s3 =	simm.s32 $0x0;
	s14 =	simm.s32 $0x80;
	s15 =	simm.s32 $0x4F00  }
0x4: {  	s16 =	simm.s32 $0x1;
	s5 =	sand.u32 $0x1, s0;
	s0 =	stileid.u32  }
0x5: {  	s17 =	simm.s32 $0x0;
	[smem:$0x7FF] =	sst s3;
	s7 =	smul.u32 $0x4F00, s0  }
0x6: {  	s1 =	sshll.u32 s5, $0x4;
	s8 =	smul.u32 $0x4F000, s5;
	s5 =	ssub.s32 $0x2, s5  }
0x7: {  	s31 =	sshll.u32 s0, $0x6;
	s1 =	sor.u32 s0, s1;
	s11 =	sshrl.u32 s5, $0x1  }
0x8: {  	s4 =	smul.u32 $0x4F0, s1;
	s1 =	rddreg [dreg:$0x2];
	_ =	strace $0x80000047  }
0x9: {  	s8 =	sadd.s32 s7, s8;
	s10 =	sshrl.u32 s7, $0x3;
	s11 =	ssub.s32 s5, s11  }
0xa: {  	s13 =	sadd.s32 s7, s2;
	s8 =	sshrl.u32 s8, $0x3;
	s10 =	sadd.s32 s10, s6  }
0xb: {  	s9 =	sadd.s32 s4, s6;
	s4 =	sadd.s32 $0x5400, s6;
	s12 =	sadd.s32 s8, s6  }
0xc: {  	s5 =	sadd.s32 $0x22E00, s10;
	s6 =	sor.u32 $0x1C02, s31;
	s10 =	smax.u32 s11, $0x1  }
0xd: {  	s11 =	sshrl.u32 s13, $0x3;
	s13 =	simm.s32 $0x2780;
	s7 =	sadd.s32 $0x19000, s9  }
0xe: {  	s8 =	sadd.s32 $0xF200, s9;
	s9 =	sadd.s32 $0x2CC00, s12;
	s12 =	simm.s32 $0x2  }
.LBB2_1:
0xf: {  	[spmem:s11], [sflag:s6] =	dma.local [hbm:s5], $0x9E0  }
0x10: {  	_ =	swait.ge [sflag:s12], $0x9E0  }
0x11: {  	[sflag:s12] =	ssyncset.done $0x0  }
0x12: {  	[sflag:s12] =	ssyncadd.s32 $0xFFFFF620  }
0x13: {  	[tilespmem:s3], [sflag:$0x2] =	stream.linear.gather [hbm4b:s7+s3], $0x2780, $0x38;
	[tilespmem:$0xAE00] =	vst v63  }
0x14: {  	_ =	swait.ge [sflag:s12], $0x2780  }
0x15: {  	[sflag:s12] =	ssyncset.done $0x0  }
0x16: {  	[sflag:s12] =	ssyncadd.s32 $0xFFFFD880  }
0x17: {  	[tilespmem:s13], [sflag:$0x2] =	stream.linear.gather [hbm4b:s8+s3], $0x2780, $0x38;
	[tilespmem:$0xAE00] =	vst v63  }
0x18: {  	_ =	swait.ge [sflag:s12], $0x2780  }
0x19: {  	[sflag:s12] =	ssyncset.done $0x0  }
0x1a: {  	[sflag:s12] =	ssyncadd.s32 $0xFFFFD880  }
0x1b: {  	s18 =	simm.s32 $0x0;
	[bflag:$0x0] =	sbarrier.arrive $0xFFFF  }
0x1c: {  	[tilespmem:s15], [sflag:$0x1] =	stream.indirect.gather [hbm4b:s4+s14], $0x20, s18, s14, $0xb8;
	[tilespmem:$0xAE00] =	vst v63  }
0x1d: {  	_ =	swait.ge [sflag:s16], $0x1000  }
0x1e: {  	[sflag:s16] =	ssyncset.done $0x0  }
0x1f: {  	s31 =	simm.s32 $0x2780;
	[sflag:s16] =	ssyncadd.s32 $0xFFFFF000  }
0x20: {  	[spmem:s2] =	stream.indirect.scatter.add.f32 [tilespmem:s15], [sflag:$0x2], $0x20, s31, s14, $0xb8;
	[tilespmem:$0xAE00] =	vst v63  }
0x21: {  	_ =	swait.ge [sflag:s12], $0x1000  }
0x22: {  	s19 =	simm.s32 $0x400;
	s18 =	simm.s32 $0x200;
	[sflag:s12] =	ssyncset.done $0x0  }
.LBB2_2:
0x23: {  	s20 =	sshra.s32 s18, $0x2  }
0x24: {  	[sflag:s12] =	ssyncadd.s32 $0xFFFFF000;
	s18 =	smov.u32 s19;
	s21 =	sadd.s32 $0x200, s19  }
0x25: {  	[tilespmem:s15], [sflag:$0x1] =	stream.indirect.gather [hbm4b:s4+s14], $0x20, s20, s14, $0xb8;
	[tilespmem:$0xAE00] =	vst v63  }
0x26: {  	p0 =	sne.s32 s19, $0x9C00;
	_ =	swait.ge [sflag:s16], $0x1000  }
.Ltmp0:
0x27: {  	[sflag:s16] =	ssyncset.done $0x0;
	(pc) =	sbr.rel @p0 .LBB2_2-.Ltmp0, $4  }
0x28: {  	s19 =	sadd.s32 $0x2780, s20;
	[sflag:s16] =	ssyncadd.s32 $0xFFFFF000  }
0x29: {  	[spmem:s2] =	stream.indirect.scatter.add.f32 [tilespmem:s15], [sflag:$0x2], $0x20, s19, s14, $0xb8;
	[tilespmem:$0xAE00] =	vst v63  }
0x2a: {  	_ =	swait.ge [sflag:s12], $0x1000  }
0x2b: {  	s19 =	smov.u32 s21;
	[sflag:s12] =	ssyncset.done $0x0  }
0x2c: {  	s18 =	sshra.s32 s18, $0x2;
	[sflag:s12] =	ssyncadd.s32 $0xFFFFF000  }
0x2d: {  	[tilespmem:s15], [sflag:$0x1] =	stream.indirect.gather [hbm4b:s4+s14], $0x20, s18, s14, $0xb8;
	[tilespmem:$0xAE00] =	vst v63  }
0x2e: {  	_ =	swait.ge [sflag:s16], $0x1000  }
0x2f: {  	[sflag:s16] =	ssyncset.done $0x0  }
0x30: {  	s18 =	sadd.s32 $0x2780, s18;
	[sflag:s16] =	ssyncadd.s32 $0xFFFFF000  }
0x31: {  	[spmem:s2] =	stream.indirect.scatter.add.f32 [tilespmem:s15], [sflag:$0x2], $0x20, s18, s14, $0xb8;
	[tilespmem:$0xAE00] =	vst v63  }
0x32: {  	_ =	swait.ge [sflag:s12], $0x1000  }
0x33: {  	s17 =	sadd.s32 $0x1, s17;
	[sflag:s12] =	ssyncset.done $0x0  }
0x34: {  	p0 =	sne.s32 s17, s10;
	[sflag:s12] =	ssyncadd.s32 $0xFFFFF000  }
.Ltmp1:
0x35: {  	[bflag:$0x0] =	sbarrier.arrive $0xFFFF;
	(pc) =	sbr.rel @p0 .LBB2_1-.Ltmp1, $4  }
0x36: {  	[hbm:s9], [sflag:s6] =	dma.local [spmem:s11], $0x9E0  }
0x37: {  	_ =	swait.ge [sflag:s12], $0x9E0  }
0x38: {  	[sflag:s12] =	ssyncset.done $0x0  }
0x39: {  	[sflag:s12] =	ssyncadd.s32 $0xFFFFF620  }
0x3a: {  	_ =	sfence.sel $0x180000  }
0x3b: {  	[bflag:$0x0] =	sbarrier.arrive $0xFFFF  }
0x3c: {  	p0 =	sne.s32 s0, $0x0;
	_ =	strace $0x90000047  }
0x3d: {  	s0 =	sadd.s32 @!p0 $0x100000, s1;
	[bflag:$0x2] =	sbarrier.arrive $0xFFFF  }
0x3e: {  	[sflag:s0] =	ssyncadd.tile.s32 @!p0 $0x1;
	_ =	shalt  }
.Lfunc_end2:
_tile_overlayer_lowered:
.L_overlay_start_2:
0x3f: {  	(tag) =	ssettag $0x2  }
0x40: {  	s0 =	rddreg [dreg:$0x0];
	s2 =	stileid.u32  }
0x41: {  	s1 =	rddreg [dreg:$0x1];
	p0 =	sne.s32 s2, $0x0  }
0x42: {  	s3 =	rddreg [dreg:$0x2];
	[bflag:$0x3] =	sbarrier.arrive $0xFFFF;
	s2 =	simm.s32 @!p0 $0x1C02  }
0x43: {  	[timem:s3], [sflag:s2] =	dma.local @!p0 [hbm:s0], s1  }
0x44: {  	s0 =	simm.s32 @!p0 $0x2  }
0x45: {  	_ =	swait.ge @!p0 [sflag:s0], s1  }
0x46: {  	s1 =	ssub.s32 @!p0 $0x0, s1;
	[sflag:s0] =	ssyncset.done @!p0 $0x0  }
0x47: {  	[sflag:s0] =	ssyncadd.s32 @!p0 s1  }
0x48: {  	[bflag:$0x3] =	sbarrier.arrive $0xFFFF  }
0x49: {  	_ =	shalt  }

// kernel: kernel.16.cloned.1.call-start
scs
__scs_entry_jumppad:
0x0: {  	(pc) =	sbr.rel $0x88, $3  }
0x1: {  	(tag) =	ssettag $0x0;
	lr =	simm.s32 $0x1  }
0x2: {  	[smem:$0x3F7C] =	sst lr;
	_ =	strace $0xD0000000  }
0x3: {  	_ = 	snop  }
0x4: {  	_ = 	snop  }
0x5: {  	_ = 	snop  }
0x6: {  	_ = 	snop  }
0x7: {  	_ = 	snop  }
__scs_overlays_trampoline_lowered:
0x8: {  	[smem:$0x3F8B] =	sst s0  }
0x9: {  	[smem:$0x3F8C] =	sst s1  }
0xa: {  	[smem:$0x3F8D] =	sst s2  }
0xb: {  	[smem:$0x3F8E] =	sst s3  }
0xc: {  	[smem:$0x3F8F] =	sst s4  }
0xd: {  	[smem:$0x3F90] =	sst s5  }
0xe: {  	[smem:$0x3F91] =	sst s6  }
0xf: {  	[smem:$0x3F92] =	sst s7  }
0x10: {  	[smem:$0x3F93] =	sst s8  }
0x11: {  	[smem:$0x3F94] =	sst s9;
	s0 =	simm.s32 @!p0 $0x0  }
0x12: {  	s1 =	sld [smem:$0x3F7A];
	s0 =	simm.s32 @p0 $0x1  }
0x13: {  	[smem:$0x3F95] =	sst s0;
	s0 =	simm.s32 @!p1 $0x0  }
0x14: {  	s2 =	sld [smem:$0x3F79];
	s0 =	simm.s32 @p1 $0x1  }
0x15: {  	[smem:$0x3F96] =	sst s0;
	s0 =	simm.s32 @!p2 $0x0  }
0x16: {  	s3 =	sld [smem:$0x3FDB];
	s0 =	simm.s32 @p2 $0x1  }
0x17: {  	s4 =	simm.s32 $0x1BF5;
	[smem:$0x3F98] =	sst s0  }
0x18: {  	s0 =	sld [smem:$0x3F7B];
	_ =	swait.ge [sflag:s4], $0x0  }
0x19: {  	s7 =	sld [smem:$0x3F7C]  }
0x1a: {  	s8 =	sadd.s32 $0xFFFFE003, lr  }
0x1b: {  	s9 =	sadd.s32 $0xFFFFFEF7, lr;
	s5 =	simm.s32 $0xFFFFFFFF;
	p2 =	slt.u32 s8, $0xFFFFF086  }
0x1c: {  	p1 =	slt.u32 s9, $0xF7A;
	s5 =	simm.s32 @!p2 $0x0  }
0x1d: {  	s5 =	simm.s32 @p1 $0x1;
	p0 =	seq.s32 s7, s2  }
0x1e: {  	s7 =	smul.u32 @!p0 $0xF7A, s2;
	p2 =	seq.s32 @!p0 s5, $0x0  }
0x1f: {  	s9 =	smul.u32 $0xF7A, s1;
	s8 =	simm.s32 @!p0 $0x1BF5;
	p2 =	por !p2, p0  }
0x20: {  	[sflag:s8] =	ssyncset.s32 @!p0 $0xFFFFF086;
	s6 =	sadd.s32 @!p0 s3, s7;
	s7 =	simm.s32 @!p0 $0x108  }
0x21: {  	s3 =	sadd.s32 s3, s9;
	s6 =	sadd.s32 @!p0 $0x88, s6;
	s7 =	simm.s32 @p2 $0x1082  }
0x22: {  	[simem:s7], [sflag:s8] =	dma.local @!p0 [hbm:s6], $0xF7A  }
0x23: {  	s9 =	sor.u32 $0xD0000000, s2;
	s6 =	simm.s32 $0x108;
	_ =	swait.ge @!p0 [sflag:s8], $0x0  }
0x24: {  	s3 =	sadd.s32 $0x88, s3;
	s6 =	simm.s32 @!p1 $0x1082;
	[sflag:s4] =	ssyncset.s32 $0xFFFFF086  }
0x25: {  	[simem:s6], [sflag:s4] =	dma.local [hbm:s3], $0xF7A  }
0x26: {  	[smem:$0x3F7C] =	sst s1;
	(tag) =	ssettag s2;
	_ =	strace s9  }
0x27: {  	s1 =	sld [smem:$0x3F8C]  }
0x28: {  	s2 =	sld [smem:$0x3F8D]  }
0x29: {  	s4 =	sld [smem:$0x3F8F]  }
0x2a: {  	p0 =	seq.s32 s5, $0x0;
	s5 =	sld [smem:$0x3F90]  }
0x2b: {  	s6 =	sld [smem:$0x3F91]  }
0x2c: {  	s7 =	sld [smem:$0x3F92]  }
0x2d: {  	s3 =	simm.s32 $0x108;
	s8 =	sld [smem:$0x3F93]  }
0x2e: {  	s3 =	simm.s32 @!p0 $0x1082;
	s9 =	sld [smem:$0x3F94]  }
0x2f: {  	lr =	sadd.s32 s0, s3;
	s0 =	sld [smem:$0x3F8B]  }
0x30: {  	s3 =	sld [smem:$0x3F8E]  }
0x31: {  	[smem:$0x3F97] =	sst s10  }
0x32: {  	s10 =	sld [smem:$0x3F95];
	_ =	sdelay $0x3  }
0x33: {  	p0 =	seq.s32 s10, $0x1;
	s10 =	sld [smem:$0x3F97];
	_ =	sdelay $0x3  }
0x34: {  	[smem:$0x3F97] =	sst s10  }
0x35: {  	s10 =	sld [smem:$0x3F96];
	_ =	sdelay $0x3  }
0x36: {  	p1 =	seq.s32 s10, $0x1;
	s10 =	sld [smem:$0x3F97];
	_ =	sdelay $0x3  }
0x37: {  	[smem:$0x3F97] =	sst s10  }
0x38: {  	s10 =	sld [smem:$0x3F98]  }
0x39: {  	_ = 	snop;
	(pc) =	sbr.ind lr, $3  }
0x3a: {  	_ = 	snop  }
0x3b: {  	_ = 	snop  }
0x3c: {  	p2 =	seq.s32 s10, $0x1;
	s10 =	sld [smem:$0x3F97]  }
0x3d: {  	_ =	shalt  }
0x3e: {  	_ =	shalt  }
0x3f: {  	_ =	shalt  }
0x40: {  	_ =	shalt  }
0x41: {  	_ =	shalt  }
0x42: {  	_ =	shalt  }
0x43: {  	_ =	shalt  }
0x44: {  	_ =	shalt  }
0x45: {  	_ =	shalt  }
0x46: {  	_ =	shalt  }
0x47: {  	_ =	shalt  }
0x48: {  	_ =	shalt  }
0x49: {  	_ =	shalt  }
0x4a: {  	_ =	shalt  }
0x4b: {  	_ =	shalt  }
0x4c: {  	_ =	shalt  }
0x4d: {  	_ =	shalt  }
0x4e: {  	_ =	shalt  }
0x4f: {  	_ =	shalt  }
0x50: {  	_ =	shalt  }
0x51: {  	_ =	shalt  }
0x52: {  	_ =	shalt  }
0x53: {  	_ =	shalt  }
0x54: {  	_ =	shalt  }
0x55: {  	_ =	shalt  }
0x56: {  	_ =	shalt  }
0x57: {  	_ =	shalt  }
0x58: {  	_ =	shalt  }
0x59: {  	_ =	shalt  }
0x5a: {  	_ =	shalt  }
0x5b: {  	_ =	shalt  }
0x5c: {  	_ =	shalt  }
0x5d: {  	_ =	shalt  }
0x5e: {  	_ =	shalt  }
0x5f: {  	_ =	shalt  }
0x60: {  	_ =	shalt  }
0x61: {  	_ =	shalt  }
0x62: {  	_ =	shalt  }
0x63: {  	_ =	shalt  }
0x64: {  	_ =	shalt  }
0x65: {  	_ =	shalt  }
0x66: {  	_ =	shalt  }
0x67: {  	_ =	shalt  }
0x68: {  	_ =	shalt  }
0x69: {  	_ =	shalt  }
0x6a: {  	_ =	shalt  }
0x6b: {  	_ =	shalt  }
0x6c: {  	_ =	shalt  }
0x6d: {  	_ =	shalt  }
0x6e: {  	_ =	shalt  }
0x6f: {  	_ =	shalt  }
0x70: {  	_ =	shalt  }
0x71: {  	_ =	shalt  }
0x72: {  	_ =	shalt  }
0x73: {  	_ =	shalt  }
0x74: {  	_ =	shalt  }
0x75: {  	_ =	shalt  }
0x76: {  	_ =	shalt  }
0x77: {  	_ =	shalt  }
0x78: {  	_ =	shalt  }
0x79: {  	_ =	shalt  }
0x7a: {  	_ =	shalt  }
0x7b: {  	_ =	shalt  }
0x7c: {  	_ =	shalt  }
0x7d: {  	_ =	shalt  }
0x7e: {  	_ =	shalt  }
0x7f: {  	_ =	shalt  }
0x80: {  	_ =	shalt  }
0x81: {  	_ =	shalt  }
0x82: {  	_ =	shalt  }
0x83: {  	_ =	shalt  }
0x84: {  	_ =	shalt  }
0x85: {  	_ =	shalt  }
0x86: {  	_ =	shalt  }
0x87: {  	_ =	shalt  }
.Lfunc_end0:
.L_simem_size_0:
called_computation.1_lowered:
.L_overlay_start_0:
0x88: {  	s2 =	sld [smem:$0x3FD9]  }
0x89: {  	s3 =	sld [smem:$0x3FFE];
	_ =	sdelay $0x1  }
0x8a: {  	s1 =	srdreg.scid  }
0x8b: {  	s0 =	sand.u32 $0x1, s1  }
0x8c: {  	s16 =	sshll.u32 s0, $0xA;
	s2 =	sadd.s32 s3, s2  }
0x8d: {  	s2 =	sadd.s32 s2, s16  }
0x8e: {  	[smem:$0x3FA3] =	sst s2  }
0x8f: {  	_ = 	snop  }
0x90: {  	(tm) =	ssettm $0x1  }
0x91: {  	s17 =	sld [smem:$0x3FFB];
	_ =	sdelay $0x3  }
0x92: {  	_ =	strace s17  }
0x93: {  	s2 =	sld [smem:$0x3FFC];
	_ =	sdelay $0x3  }
0x94: {  	_ =	strace s2  }
0x95: {  	s2 =	sld [smem:$0x3FFD];
	_ =	sdelay $0x3  }
0x96: {  	_ =	strace s2  }
0x97: {  	_ =	strace $0x8FFFFFFF  }
0x98: {  	s18 =	sld [smem:$0x3FDB];
	_ =	sdelay $0x1  }
0x99: {  	s19 =	simm.s32 $_scs_section_size  }
0x9a: {  	s4 =	simm.s32 $_size__tile_overlayer_lowered;
	s5 =	simm.s32 $_tile_overlayer_lowered  }
0x9b: {  	s22 =	simm.s32 $0x1BFF;
	s21 =	sshll.u32 s5, $0x1;
	s2 =	sadd.s32 s19, s18  }
0x9c: {  	s6 =	simm.s32 $0x0;
	s20 =	sshll.u32 s4, $0x1;
	s4 =	sadd.s32 s21, s2  }
0x9d: {  	[timem:s6], [sflag:s22] =	dma.local [hbm:s4], s20  }
0x9e: {  	_ =	swait.ge [sflag:s22], s20  }
0x9f: {  	s3 =	ssub.s32 $0x0, s20;
	[sflag:s22] =	ssyncset.done $0x0  }
0xa0: {  	[sflag:s22] =	ssyncadd.s32 s3;
	_ =	sdelay $0x1  }
0xa1: {  	s23 =	simm.s32 $0x1B8B  }
0xa2: {  	_ =	swait.ge [sflag:s23], $0x1  }
0xa3: {  	[sflag:s23] =	ssyncset.done $0x0  }
0xa4: {  	s25 =	simm.s32 $0x1B8E;
	s24 =	sld [smem:$0x3FFE];
	[sflag:s23] =	ssyncadd.s32 $0xFFFFFFFF  }
0xa5: {  	s26 =	simm.s32 $execute0_lowered;
	[smem:$0x3FD2] =	sst s25  }
0xa6: {  	s4 =	sshll.u32 s26, $0x1;
	_ =	strace $0x80000049;
	[dreg:$0x1] =	wrdreg $0xFFFFFFFF  }
0xa7: {  	s28 =	simm.s32 $_size_execute0_lowered;
	s2 =	sadd.s32 s2, s4;
	[dreg:$0x0] =	wrdreg $0x0  }
0xa8: {  	s4 =	sshll.u32 s28, $0x1;
	[dreg:$0x2] =	wrdreg s2  }
0xa9: {  	[dreg:$0x3] =	wrdreg s4  }
0xaa: {  	[dreg:$0x4] =	wrdreg $0xC0  }
0xab: {  	_ =	task [dreg:s6], $0x5FFFF  }
0xac: {  	[dreg:$0x1] =	wrdreg $0xFFFFFFFF  }
0xad: {  	[dreg:$0x0] =	wrdreg $0x60  }
0xae: {  	[dreg:$0x2] =	wrdreg s24  }
0xaf: {  	[dreg:$0x3] =	wrdreg $0x5F000  }
0xb0: {  	[dreg:$0x4] =	wrdreg $0x9  }
0xb1: {  	_ =	task.clear_ibuf [dreg:s6], $0x5FFFF;
	_ =	strace $0x90000049  }
0xb2: {  	s29 =	simm.s32 $0x9;
	_ =	strace $0x8000004B  }
0xb3: {  	_ =	swait.ge [sflag:s29], $0x1  }
0xb4: {  	[sflag:s29] =	ssyncadd.s32 $0xFFFFFFFF  }
0xb5: {  	_ =	strace $0x9000004B  }
0xb6: {  	_ =	sfence  }
0xb7: {  	s30 =	sld [smem:$0x0];
	_ =	sdelay $0x2  }
0xb8: {  	s31 =	sshll.u32 s1, $0xD;
	s1 =	sshrl.u32 s1, $0x2  }
0xb9: {  	s3 =	sand.u32 $0x4000, s31;
	s1 =	sadd.s32 s1, s30  }
0xba: {  	s0 =	sor.u32 s3, s0;
	s1 =	sshll.u32 s1, $0x11  }
0xbb: {  	s0 =	sor.u32 s1, s0  }
0xbc: {  	s0 =	sadd.s32 $0x8F2B, s0  }
0xbd: {  	[sflag:s0] =	ssyncadd.remote.s32 $0x1  }
0xbe: {  	_ =	sfence.sel $0xFFFF  }
0xbf: {  	[dreg:$0x0] =	wrdreg $0xFFFFFFFF;
	(pc) =	sbr.abs _section_cstart, $3  }
0xc0: {  	[dreg:$0x1] =	wrdreg $0xFFFFFFFF  }
0xc1: {  	_ =	task.clear_ibuf [dreg:s6], $0x2FFFF;
	_ =	strace $0x9FFFFFFF  }
0xc2: {  	(tm) =	ssettm $0x7FFFFFFF  }
0xc3: {  	_ =	shalt  }
tec
execute0_lowered:
.L_overlay_start_1:
0x0: {  	(tag) =	ssettag $0x1  }
0x1: {  	s6 =	rddreg [dreg:$0x0]  }
0x2: {  	s0 =	srdreg.scid;
	s2 =	rddreg [dreg:$0x1]  }
0x3: {  	s3 =	simm.s32 $0x0;
	s14 =	simm.s32 $0x80;
	s15 =	simm.s32 $0x4F00  }
0x4: {  	s16 =	simm.s32 $0x1;
	s5 =	sand.u32 $0x1, s0;
	s0 =	stileid.u32  }
0x5: {  	s17 =	simm.s32 $0x0;
	[smem:$0x7FF] =	sst s3;
	s7 =	smul.u32 $0x4F00, s0  }
0x6: {  	s1 =	sshll.u32 s5, $0x4;
	s8 =	smul.u32 $0x4F000, s5;
	s5 =	ssub.s32 $0x2, s5  }
0x7: {  	s31 =	sshll.u32 s0, $0x6;
	s1 =	sor.u32 s0, s1;
	s11 =	sshrl.u32 s5, $0x1  }
0x8: {  	s4 =	smul.u32 $0x4F0, s1;
	s1 =	rddreg [dreg:$0x2];
	_ =	strace $0x8000004A  }
0x9: {  	s8 =	sadd.s32 s7, s8;
	s10 =	sshrl.u32 s7, $0x3;
	s11 =	ssub.s32 s5, s11  }
0xa: {  	s13 =	sadd.s32 s7, s2;
	s8 =	sshrl.u32 s8, $0x3;
	s10 =	sadd.s32 s10, s6  }
0xb: {  	s9 =	sadd.s32 s4, s6;
	s4 =	sadd.s32 $0x5400, s6;
	s12 =	sadd.s32 s8, s6  }
0xc: {  	s5 =	sadd.s32 $0x22E00, s10;
	s6 =	sor.u32 $0x1C02, s31;
	s10 =	smax.u32 s11, $0x1  }
0xd: {  	s11 =	sshrl.u32 s13, $0x3;
	s13 =	simm.s32 $0x2780;
	s7 =	sadd.s32 $0x19000, s9  }
0xe: {  	s8 =	sadd.s32 $0xF200, s9;
	s9 =	sadd.s32 $0x2CC00, s12;
	s12 =	simm.s32 $0x2  }
.LBB2_1:
0xf: {  	[spmem:s11], [sflag:s6] =	dma.local [hbm:s5], $0x9E0  }
0x10: {  	_ =	swait.ge [sflag:s12], $0x9E0  }
0x11: {  	[sflag:s12] =	ssyncset.done $0x0  }
0x12: {  	[sflag:s12] =	ssyncadd.s32 $0xFFFFF620  }
0x13: {  	[tilespmem:s3], [sflag:$0x2] =	stream.linear.gather [hbm4b:s7+s3], $0x2780, $0x38;
	[tilespmem:$0xAE00] =	vst v63  }
0x14: {  	_ =	swait.ge [sflag:s12], $0x2780  }
0x15: {  	[sflag:s12] =	ssyncset.done $0x0  }
0x16: {  	[sflag:s12] =	ssyncadd.s32 $0xFFFFD880  }
0x17: {  	[tilespmem:s13], [sflag:$0x2] =	stream.linear.gather [hbm4b:s8+s3], $0x2780, $0x38;
	[tilespmem:$0xAE00] =	vst v63  }
0x18: {  	_ =	swait.ge [sflag:s12], $0x2780  }
0x19: {  	[sflag:s12] =	ssyncset.done $0x0  }
0x1a: {  	[sflag:s12] =	ssyncadd.s32 $0xFFFFD880  }
0x1b: {  	s18 =	simm.s32 $0x0;
	[bflag:$0x0] =	sbarrier.arrive $0xFFFF  }
0x1c: {  	[tilespmem:s15], [sflag:$0x1] =	stream.indirect.gather [hbm4b:s4+s14], $0x20, s18, s14, $0xb8;
	[tilespmem:$0xAE00] =	vst v63  }
0x1d: {  	_ =	swait.ge [sflag:s16], $0x1000  }
0x1e: {  	[sflag:s16] =	ssyncset.done $0x0  }
0x1f: {  	s31 =	simm.s32 $0x2780;
	[sflag:s16] =	ssyncadd.s32 $0xFFFFF000  }
0x20: {  	[spmem:s2] =	stream.indirect.scatter.add.f32 [tilespmem:s15], [sflag:$0x2], $0x20, s31, s14, $0xb8;
	[tilespmem:$0xAE00] =	vst v63  }
0x21: {  	_ =	swait.ge [sflag:s12], $0x1000  }
0x22: {  	s19 =	simm.s32 $0x400;
	s18 =	simm.s32 $0x200;
	[sflag:s12] =	ssyncset.done $0x0  }
.LBB2_2:
0x23: {  	s20 =	sshra.s32 s18, $0x2  }
0x24: {  	[sflag:s12] =	ssyncadd.s32 $0xFFFFF000;
	s18 =	smov.u32 s19;
	s21 =	sadd.s32 $0x200, s19  }
0x25: {  	[tilespmem:s15], [sflag:$0x1] =	stream.indirect.gather [hbm4b:s4+s14], $0x20, s20, s14, $0xb8;
	[tilespmem:$0xAE00] =	vst v63  }
0x26: {  	p0 =	sne.s32 s19, $0x9C00;
	_ =	swait.ge [sflag:s16], $0x1000  }
.Ltmp0:
0x27: {  	[sflag:s16] =	ssyncset.done $0x0;
	(pc) =	sbr.rel @p0 .LBB2_2-.Ltmp0, $4  }
0x28: {  	s19 =	sadd.s32 $0x2780, s20;
	[sflag:s16] =	ssyncadd.s32 $0xFFFFF000  }
0x29: {  	[spmem:s2] =	stream.indirect.scatter.add.f32 [tilespmem:s15], [sflag:$0x2], $0x20, s19, s14, $0xb8;
	[tilespmem:$0xAE00] =	vst v63  }
0x2a: {  	_ =	swait.ge [sflag:s12], $0x1000  }
0x2b: {  	s19 =	smov.u32 s21;
	[sflag:s12] =	ssyncset.done $0x0  }
0x2c: {  	s18 =	sshra.s32 s18, $0x2;
	[sflag:s12] =	ssyncadd.s32 $0xFFFFF000  }
0x2d: {  	[tilespmem:s15], [sflag:$0x1] =	stream.indirect.gather [hbm4b:s4+s14], $0x20, s18, s14, $0xb8;
	[tilespmem:$0xAE00] =	vst v63  }
0x2e: {  	_ =	swait.ge [sflag:s16], $0x1000  }
0x2f: {  	[sflag:s16] =	ssyncset.done $0x0  }
0x30: {  	s18 =	sadd.s32 $0x2780, s18;
	[sflag:s16] =	ssyncadd.s32 $0xFFFFF000  }
0x31: {  	[spmem:s2] =	stream.indirect.scatter.add.f32 [tilespmem:s15], [sflag:$0x2], $0x20, s18, s14, $0xb8;
	[tilespmem:$0xAE00] =	vst v63  }
0x32: {  	_ =	swait.ge [sflag:s12], $0x1000  }
0x33: {  	s17 =	sadd.s32 $0x1, s17;
	[sflag:s12] =	ssyncset.done $0x0  }
0x34: {  	p0 =	sne.s32 s17, s10;
	[sflag:s12] =	ssyncadd.s32 $0xFFFFF000  }
.Ltmp1:
0x35: {  	[bflag:$0x0] =	sbarrier.arrive $0xFFFF;
	(pc) =	sbr.rel @p0 .LBB2_1-.Ltmp1, $4  }
0x36: {  	[hbm:s9], [sflag:s6] =	dma.local [spmem:s11], $0x9E0  }
0x37: {  	_ =	swait.ge [sflag:s12], $0x9E0  }
0x38: {  	[sflag:s12] =	ssyncset.done $0x0  }
0x39: {  	[sflag:s12] =	ssyncadd.s32 $0xFFFFF620  }
0x3a: {  	_ =	sfence.sel $0x180000  }
0x3b: {  	[bflag:$0x0] =	sbarrier.arrive $0xFFFF  }
0x3c: {  	p0 =	sne.s32 s0, $0x0;
	_ =	strace $0x9000004A  }
0x3d: {  	s0 =	sadd.s32 @!p0 $0x100000, s1;
	[bflag:$0x2] =	sbarrier.arrive $0xFFFF  }
0x3e: {  	[sflag:s0] =	ssyncadd.tile.s32 @!p0 $0x1;
	_ =	shalt  }
.Lfunc_end2:
_tile_overlayer_lowered:
.L_overlay_start_2:
0x3f: {  	(tag) =	ssettag $0x2  }
0x40: {  	s0 =	rddreg [dreg:$0x0];
	s2 =	stileid.u32  }
0x41: {  	s1 =	rddreg [dreg:$0x1];
	p0 =	sne.s32 s2, $0x0  }
0x42: {  	s3 =	rddreg [dreg:$0x2];
	[bflag:$0x3] =	sbarrier.arrive $0xFFFF;
	s2 =	simm.s32 @!p0 $0x1C02  }
0x43: {  	[timem:s3], [sflag:s2] =	dma.local @!p0 [hbm:s0], s1  }
0x44: {  	s0 =	simm.s32 @!p0 $0x2  }
0x45: {  	_ =	swait.ge @!p0 [sflag:s0], s1  }
0x46: {  	s1 =	ssub.s32 @!p0 $0x0, s1;
	[sflag:s0] =	ssyncset.done @!p0 $0x0  }
0x47: {  	[sflag:s0] =	ssyncadd.s32 @!p0 s1  }
0x48: {  	[bflag:$0x3] =	sbarrier.arrive $0xFFFF  }
0x49: {  	_ =	shalt  }

// kernel: kernel.19.cloned.1.call-start
scs
__scs_entry_jumppad:
0x0: {  	(pc) =	sbr.rel $0x88, $3  }
0x1: {  	(tag) =	ssettag $0x0;
	lr =	simm.s32 $0x1  }
0x2: {  	[smem:$0x3F7C] =	sst lr;
	_ =	strace $0xD0000000  }
0x3: {  	_ = 	snop  }
0x4: {  	_ = 	snop  }
0x5: {  	_ = 	snop  }
0x6: {  	_ = 	snop  }
0x7: {  	_ = 	snop  }
__scs_overlays_trampoline_lowered:
0x8: {  	[smem:$0x3F8B] =	sst s0  }
0x9: {  	[smem:$0x3F8C] =	sst s1  }
0xa: {  	[smem:$0x3F8D] =	sst s2  }
0xb: {  	[smem:$0x3F8E] =	sst s3  }
0xc: {  	[smem:$0x3F8F] =	sst s4  }
0xd: {  	[smem:$0x3F90] =	sst s5  }
0xe: {  	[smem:$0x3F91] =	sst s6  }
0xf: {  	[smem:$0x3F92] =	sst s7  }
0x10: {  	[smem:$0x3F93] =	sst s8  }
0x11: {  	[smem:$0x3F94] =	sst s9;
	s0 =	simm.s32 @!p0 $0x0  }
0x12: {  	s1 =	sld [smem:$0x3F7A];
	s0 =	simm.s32 @p0 $0x1  }
0x13: {  	[smem:$0x3F95] =	sst s0;
	s0 =	simm.s32 @!p1 $0x0  }
0x14: {  	s2 =	sld [smem:$0x3F79];
	s0 =	simm.s32 @p1 $0x1  }
0x15: {  	[smem:$0x3F96] =	sst s0;
	s0 =	simm.s32 @!p2 $0x0  }
0x16: {  	s3 =	sld [smem:$0x3FDB];
	s0 =	simm.s32 @p2 $0x1  }
0x17: {  	s4 =	simm.s32 $0x1BF5;
	[smem:$0x3F98] =	sst s0  }
0x18: {  	s0 =	sld [smem:$0x3F7B];
	_ =	swait.ge [sflag:s4], $0x0  }
0x19: {  	s7 =	sld [smem:$0x3F7C]  }
0x1a: {  	s8 =	sadd.s32 $0xFFFFE003, lr  }
0x1b: {  	s9 =	sadd.s32 $0xFFFFFEF7, lr;
	s5 =	simm.s32 $0xFFFFFFFF;
	p2 =	slt.u32 s8, $0xFFFFF086  }
0x1c: {  	p1 =	slt.u32 s9, $0xF7A;
	s5 =	simm.s32 @!p2 $0x0  }
0x1d: {  	s5 =	simm.s32 @p1 $0x1;
	p0 =	seq.s32 s7, s2  }
0x1e: {  	s7 =	smul.u32 @!p0 $0xF7A, s2;
	p2 =	seq.s32 @!p0 s5, $0x0  }
0x1f: {  	s9 =	smul.u32 $0xF7A, s1;
	s8 =	simm.s32 @!p0 $0x1BF5;
	p2 =	por !p2, p0  }
0x20: {  	[sflag:s8] =	ssyncset.s32 @!p0 $0xFFFFF086;
	s6 =	sadd.s32 @!p0 s3, s7;
	s7 =	simm.s32 @!p0 $0x108  }
0x21: {  	s3 =	sadd.s32 s3, s9;
	s6 =	sadd.s32 @!p0 $0x88, s6;
	s7 =	simm.s32 @p2 $0x1082  }
0x22: {  	[simem:s7], [sflag:s8] =	dma.local @!p0 [hbm:s6], $0xF7A  }
0x23: {  	s9 =	sor.u32 $0xD0000000, s2;
	s6 =	simm.s32 $0x108;
	_ =	swait.ge @!p0 [sflag:s8], $0x0  }
0x24: {  	s3 =	sadd.s32 $0x88, s3;
	s6 =	simm.s32 @!p1 $0x1082;
	[sflag:s4] =	ssyncset.s32 $0xFFFFF086  }
0x25: {  	[simem:s6], [sflag:s4] =	dma.local [hbm:s3], $0xF7A  }
0x26: {  	[smem:$0x3F7C] =	sst s1;
	(tag) =	ssettag s2;
	_ =	strace s9  }
0x27: {  	s1 =	sld [smem:$0x3F8C]  }
0x28: {  	s2 =	sld [smem:$0x3F8D]  }
0x29: {  	s4 =	sld [smem:$0x3F8F]  }
0x2a: {  	p0 =	seq.s32 s5, $0x0;
	s5 =	sld [smem:$0x3F90]  }
0x2b: {  	s6 =	sld [smem:$0x3F91]  }
0x2c: {  	s7 =	sld [smem:$0x3F92]  }
0x2d: {  	s3 =	simm.s32 $0x108;
	s8 =	sld [smem:$0x3F93]  }
0x2e: {  	s3 =	simm.s32 @!p0 $0x1082;
	s9 =	sld [smem:$0x3F94]  }
0x2f: {  	lr =	sadd.s32 s0, s3;
	s0 =	sld [smem:$0x3F8B]  }
0x30: {  	s3 =	sld [smem:$0x3F8E]  }
0x31: {  	[smem:$0x3F97] =	sst s10  }
0x32: {  	s10 =	sld [smem:$0x3F95];
	_ =	sdelay $0x3  }
0x33: {  	p0 =	seq.s32 s10, $0x1;
	s10 =	sld [smem:$0x3F97];
	_ =	sdelay $0x3  }
0x34: {  	[smem:$0x3F97] =	sst s10  }
0x35: {  	s10 =	sld [smem:$0x3F96];
	_ =	sdelay $0x3  }
0x36: {  	p1 =	seq.s32 s10, $0x1;
	s10 =	sld [smem:$0x3F97];
	_ =	sdelay $0x3  }
0x37: {  	[smem:$0x3F97] =	sst s10  }
0x38: {  	s10 =	sld [smem:$0x3F98]  }
0x39: {  	_ = 	snop;
	(pc) =	sbr.ind lr, $3  }
0x3a: {  	_ = 	snop  }
0x3b: {  	_ = 	snop  }
0x3c: {  	p2 =	seq.s32 s10, $0x1;
	s10 =	sld [smem:$0x3F97]  }
0x3d: {  	_ =	shalt  }
0x3e: {  	_ =	shalt  }
0x3f: {  	_ =	shalt  }
0x40: {  	_ =	shalt  }
0x41: {  	_ =	shalt  }
0x42: {  	_ =	shalt  }
0x43: {  	_ =	shalt  }
0x44: {  	_ =	shalt  }
0x45: {  	_ =	shalt  }
0x46: {  	_ =	shalt  }
0x47: {  	_ =	shalt  }
0x48: {  	_ =	shalt  }
0x49: {  	_ =	shalt  }
0x4a: {  	_ =	shalt  }
0x4b: {  	_ =	shalt  }
0x4c: {  	_ =	shalt  }
0x4d: {  	_ =	shalt  }
0x4e: {  	_ =	shalt  }
0x4f: {  	_ =	shalt  }
0x50: {  	_ =	shalt  }
0x51: {  	_ =	shalt  }
0x52: {  	_ =	shalt  }
0x53: {  	_ =	shalt  }
0x54: {  	_ =	shalt  }
0x55: {  	_ =	shalt  }
0x56: {  	_ =	shalt  }
0x57: {  	_ =	shalt  }
0x58: {  	_ =	shalt  }
0x59: {  	_ =	shalt  }
0x5a: {  	_ =	shalt  }
0x5b: {  	_ =	shalt  }
0x5c: {  	_ =	shalt  }
0x5d: {  	_ =	shalt  }
0x5e: {  	_ =	shalt  }
0x5f: {  	_ =	shalt  }
0x60: {  	_ =	shalt  }
0x61: {  	_ =	shalt  }
0x62: {  	_ =	shalt  }
0x63: {  	_ =	shalt  }
0x64: {  	_ =	shalt  }
0x65: {  	_ =	shalt  }
0x66: {  	_ =	shalt  }
0x67: {  	_ =	shalt  }
0x68: {  	_ =	shalt  }
0x69: {  	_ =	shalt  }
0x6a: {  	_ =	shalt  }
0x6b: {  	_ =	shalt  }
0x6c: {  	_ =	shalt  }
0x6d: {  	_ =	shalt  }
0x6e: {  	_ =	shalt  }
0x6f: {  	_ =	shalt  }
0x70: {  	_ =	shalt  }
0x71: {  	_ =	shalt  }
0x72: {  	_ =	shalt  }
0x73: {  	_ =	shalt  }
0x74: {  	_ =	shalt  }
0x75: {  	_ =	shalt  }
0x76: {  	_ =	shalt  }
0x77: {  	_ =	shalt  }
0x78: {  	_ =	shalt  }
0x79: {  	_ =	shalt  }
0x7a: {  	_ =	shalt  }
0x7b: {  	_ =	shalt  }
0x7c: {  	_ =	shalt  }
0x7d: {  	_ =	shalt  }
0x7e: {  	_ =	shalt  }
0x7f: {  	_ =	shalt  }
0x80: {  	_ =	shalt  }
0x81: {  	_ =	shalt  }
0x82: {  	_ =	shalt  }
0x83: {  	_ =	shalt  }
0x84: {  	_ =	shalt  }
0x85: {  	_ =	shalt  }
0x86: {  	_ =	shalt  }
0x87: {  	_ =	shalt  }
.Lfunc_end0:
.L_simem_size_0:
called_computation.2_lowered:
.L_overlay_start_0:
0x88: {  	s2 =	sld [smem:$0x3FD9]  }
0x89: {  	s3 =	sld [smem:$0x3FFE];
	_ =	sdelay $0x1  }
0x8a: {  	s1 =	srdreg.scid  }
0x8b: {  	s0 =	sand.u32 $0x1, s1  }
0x8c: {  	s16 =	sshll.u32 s0, $0xA;
	s2 =	sadd.s32 s3, s2  }
0x8d: {  	s2 =	sadd.s32 s2, s16  }
0x8e: {  	[smem:$0x3FA3] =	sst s2  }
0x8f: {  	_ = 	snop  }
0x90: {  	(tm) =	ssettm $0x1  }
0x91: {  	s17 =	sld [smem:$0x3FFB];
	_ =	sdelay $0x3  }
0x92: {  	_ =	strace s17  }
0x93: {  	s2 =	sld [smem:$0x3FFC];
	_ =	sdelay $0x3  }
0x94: {  	_ =	strace s2  }
0x95: {  	s2 =	sld [smem:$0x3FFD];
	_ =	sdelay $0x3  }
0x96: {  	_ =	strace s2  }
0x97: {  	_ =	strace $0x8FFFFFFF  }
0x98: {  	s18 =	sld [smem:$0x3FDB];
	_ =	sdelay $0x1  }
0x99: {  	s19 =	simm.s32 $_scs_section_size  }
0x9a: {  	s4 =	simm.s32 $_size__tile_overlayer_lowered;
	s5 =	simm.s32 $_tile_overlayer_lowered  }
0x9b: {  	s22 =	simm.s32 $0x1BFF;
	s21 =	sshll.u32 s5, $0x1;
	s2 =	sadd.s32 s19, s18  }
0x9c: {  	s6 =	simm.s32 $0x0;
	s20 =	sshll.u32 s4, $0x1;
	s4 =	sadd.s32 s21, s2  }
0x9d: {  	[timem:s6], [sflag:s22] =	dma.local [hbm:s4], s20  }
0x9e: {  	_ =	swait.ge [sflag:s22], s20  }
0x9f: {  	s3 =	ssub.s32 $0x0, s20;
	[sflag:s22] =	ssyncset.done $0x0  }
0xa0: {  	[sflag:s22] =	ssyncadd.s32 s3;
	_ =	sdelay $0x1  }
0xa1: {  	s23 =	simm.s32 $0x1B8B  }
0xa2: {  	_ =	swait.ge [sflag:s23], $0x1  }
0xa3: {  	[sflag:s23] =	ssyncset.done $0x0  }
0xa4: {  	s25 =	simm.s32 $0x1B8E;
	s24 =	sld [smem:$0x3FFE];
	[sflag:s23] =	ssyncadd.s32 $0xFFFFFFFF  }
0xa5: {  	s26 =	simm.s32 $execute0_lowered;
	[smem:$0x3FD2] =	sst s25  }
0xa6: {  	s4 =	sshll.u32 s26, $0x1;
	_ =	strace $0x8000004C;
	[dreg:$0x1] =	wrdreg $0xFFFFFFFF  }
0xa7: {  	s28 =	simm.s32 $_size_execute0_lowered;
	s2 =	sadd.s32 s2, s4;
	[dreg:$0x0] =	wrdreg $0x0  }
0xa8: {  	s4 =	sshll.u32 s28, $0x1;
	[dreg:$0x2] =	wrdreg s2  }
0xa9: {  	[dreg:$0x3] =	wrdreg s4  }
0xaa: {  	[dreg:$0x4] =	wrdreg $0xC0  }
0xab: {  	_ =	task [dreg:s6], $0x5FFFF  }
0xac: {  	[dreg:$0x1] =	wrdreg $0xFFFFFFFF  }
0xad: {  	[dreg:$0x0] =	wrdreg $0x60  }
0xae: {  	[dreg:$0x2] =	wrdreg s24  }
0xaf: {  	[dreg:$0x3] =	wrdreg $0x5F000  }
0xb0: {  	[dreg:$0x4] =	wrdreg $0x9  }
0xb1: {  	_ =	task.clear_ibuf [dreg:s6], $0x5FFFF;
	_ =	strace $0x9000004C  }
0xb2: {  	s29 =	simm.s32 $0x9;
	_ =	strace $0x8000004E  }
0xb3: {  	_ =	swait.ge [sflag:s29], $0x1  }
0xb4: {  	[sflag:s29] =	ssyncadd.s32 $0xFFFFFFFF  }
0xb5: {  	_ =	strace $0x9000004E  }
0xb6: {  	_ =	sfence  }
0xb7: {  	s30 =	sld [smem:$0x0];
	_ =	sdelay $0x2  }
0xb8: {  	s31 =	sshll.u32 s1, $0xD;
	s1 =	sshrl.u32 s1, $0x2  }
0xb9: {  	s3 =	sand.u32 $0x4000, s31;
	s1 =	sadd.s32 s1, s30  }
0xba: {  	s0 =	sor.u32 s3, s0;
	s1 =	sshll.u32 s1, $0x11  }
0xbb: {  	s0 =	sor.u32 s1, s0  }
0xbc: {  	s0 =	sadd.s32 $0x8F2B, s0  }
0xbd: {  	[sflag:s0] =	ssyncadd.remote.s32 $0x1  }
0xbe: {  	_ =	sfence.sel $0xFFFF  }
0xbf: {  	[dreg:$0x0] =	wrdreg $0xFFFFFFFF;
	(pc) =	sbr.abs _section_cstart, $3  }
0xc0: {  	[dreg:$0x1] =	wrdreg $0xFFFFFFFF  }
0xc1: {  	_ =	task.clear_ibuf [dreg:s6], $0x2FFFF;
	_ =	strace $0x9FFFFFFF  }
0xc2: {  	(tm) =	ssettm $0x7FFFFFFF  }
0xc3: {  	_ =	shalt  }
tec
execute0_lowered:
.L_overlay_start_1:
0x0: {  	(tag) =	ssettag $0x1  }
0x1: {  	s6 =	rddreg [dreg:$0x0]  }
0x2: {  	s0 =	srdreg.scid;
	s2 =	rddreg [dreg:$0x1]  }
0x3: {  	s3 =	simm.s32 $0x0;
	s14 =	simm.s32 $0x80;
	s15 =	simm.s32 $0x4F00  }
0x4: {  	s16 =	simm.s32 $0x1;
	s5 =	sand.u32 $0x1, s0;
	s0 =	stileid.u32  }
0x5: {  	s17 =	simm.s32 $0x0;
	[smem:$0x7FF] =	sst s3;
	s7 =	smul.u32 $0x4F00, s0  }
0x6: {  	s1 =	sshll.u32 s5, $0x4;
	s8 =	smul.u32 $0x4F000, s5;
	s5 =	ssub.s32 $0x2, s5  }
0x7: {  	s31 =	sshll.u32 s0, $0x6;
	s1 =	sor.u32 s0, s1;
	s11 =	sshrl.u32 s5, $0x1  }
0x8: {  	s4 =	smul.u32 $0x4F0, s1;
	s1 =	rddreg [dreg:$0x2];
	_ =	strace $0x8000004D  }
0x9: {  	s8 =	sadd.s32 s7, s8;
	s10 =	sshrl.u32 s7, $0x3;
	s11 =	ssub.s32 s5, s11  }
0xa: {  	s13 =	sadd.s32 s7, s2;
	s8 =	sshrl.u32 s8, $0x3;
	s10 =	sadd.s32 s10, s6  }
0xb: {  	s9 =	sadd.s32 s4, s6;
	s4 =	sadd.s32 $0x5400, s6;
	s12 =	sadd.s32 s8, s6  }
0xc: {  	s5 =	sadd.s32 $0x22E00, s10;
	s6 =	sor.u32 $0x1C02, s31;
	s10 =	smax.u32 s11, $0x1  }
0xd: {  	s11 =	sshrl.u32 s13, $0x3;
	s13 =	simm.s32 $0x2780;
	s7 =	sadd.s32 $0x19000, s9  }
0xe: {  	s8 =	sadd.s32 $0xF200, s9;
	s9 =	sadd.s32 $0x2CC00, s12;
	s12 =	simm.s32 $0x2  }
.LBB2_1:
0xf: {  	[spmem:s11], [sflag:s6] =	dma.local [hbm:s5], $0x9E0  }
0x10: {  	_ =	swait.ge [sflag:s12], $0x9E0  }
0x11: {  	[sflag:s12] =	ssyncset.done $0x0  }
0x12: {  	[sflag:s12] =	ssyncadd.s32 $0xFFFFF620  }
0x13: {  	[tilespmem:s3], [sflag:$0x2] =	stream.linear.gather [hbm4b:s7+s3], $0x2780, $0x38;
	[tilespmem:$0xAE00] =	vst v63  }
0x14: {  	_ =	swait.ge [sflag:s12], $0x2780  }
0x15: {  	[sflag:s12] =	ssyncset.done $0x0  }
0x16: {  	[sflag:s12] =	ssyncadd.s32 $0xFFFFD880  }
0x17: {  	[tilespmem:s13], [sflag:$0x2] =	stream.linear.gather [hbm4b:s8+s3], $0x2780, $0x38;
	[tilespmem:$0xAE00] =	vst v63  }
0x18: {  	_ =	swait.ge [sflag:s12], $0x2780  }
0x19: {  	[sflag:s12] =	ssyncset.done $0x0  }
0x1a: {  	[sflag:s12] =	ssyncadd.s32 $0xFFFFD880  }
0x1b: {  	s18 =	simm.s32 $0x0;
	[bflag:$0x0] =	sbarrier.arrive $0xFFFF  }
0x1c: {  	[tilespmem:s15], [sflag:$0x1] =	stream.indirect.gather [hbm4b:s4+s14], $0x20, s18, s14, $0xb8;
	[tilespmem:$0xAE00] =	vst v63  }
0x1d: {  	_ =	swait.ge [sflag:s16], $0x1000  }
0x1e: {  	[sflag:s16] =	ssyncset.done $0x0  }
0x1f: {  	s31 =	simm.s32 $0x2780;
	[sflag:s16] =	ssyncadd.s32 $0xFFFFF000  }
0x20: {  	[spmem:s2] =	stream.indirect.scatter.add.f32 [tilespmem:s15], [sflag:$0x2], $0x20, s31, s14, $0xb8;
	[tilespmem:$0xAE00] =	vst v63  }
0x21: {  	_ =	swait.ge [sflag:s12], $0x1000  }
0x22: {  	s19 =	simm.s32 $0x400;
	s18 =	simm.s32 $0x200;
	[sflag:s12] =	ssyncset.done $0x0  }
.LBB2_2:
0x23: {  	s20 =	sshra.s32 s18, $0x2  }
0x24: {  	[sflag:s12] =	ssyncadd.s32 $0xFFFFF000;
	s18 =	smov.u32 s19;
	s21 =	sadd.s32 $0x200, s19  }
0x25: {  	[tilespmem:s15], [sflag:$0x1] =	stream.indirect.gather [hbm4b:s4+s14], $0x20, s20, s14, $0xb8;
	[tilespmem:$0xAE00] =	vst v63  }
0x26: {  	p0 =	sne.s32 s19, $0x9C00;
	_ =	swait.ge [sflag:s16], $0x1000  }
.Ltmp0:
0x27: {  	[sflag:s16] =	ssyncset.done $0x0;
	(pc) =	sbr.rel @p0 .LBB2_2-.Ltmp0, $4  }
0x28: {  	s19 =	sadd.s32 $0x2780, s20;
	[sflag:s16] =	ssyncadd.s32 $0xFFFFF000  }
0x29: {  	[spmem:s2] =	stream.indirect.scatter.add.f32 [tilespmem:s15], [sflag:$0x2], $0x20, s19, s14, $0xb8;
	[tilespmem:$0xAE00] =	vst v63  }
0x2a: {  	_ =	swait.ge [sflag:s12], $0x1000  }
0x2b: {  	s19 =	smov.u32 s21;
	[sflag:s12] =	ssyncset.done $0x0  }
0x2c: {  	s18 =	sshra.s32 s18, $0x2;
	[sflag:s12] =	ssyncadd.s32 $0xFFFFF000  }
0x2d: {  	[tilespmem:s15], [sflag:$0x1] =	stream.indirect.gather [hbm4b:s4+s14], $0x20, s18, s14, $0xb8;
	[tilespmem:$0xAE00] =	vst v63  }
0x2e: {  	_ =	swait.ge [sflag:s16], $0x1000  }
0x2f: {  	[sflag:s16] =	ssyncset.done $0x0  }
0x30: {  	s18 =	sadd.s32 $0x2780, s18;
	[sflag:s16] =	ssyncadd.s32 $0xFFFFF000  }
0x31: {  	[spmem:s2] =	stream.indirect.scatter.add.f32 [tilespmem:s15], [sflag:$0x2], $0x20, s18, s14, $0xb8;
	[tilespmem:$0xAE00] =	vst v63  }
0x32: {  	_ =	swait.ge [sflag:s12], $0x1000  }
0x33: {  	s17 =	sadd.s32 $0x1, s17;
	[sflag:s12] =	ssyncset.done $0x0  }
0x34: {  	p0 =	sne.s32 s17, s10;
	[sflag:s12] =	ssyncadd.s32 $0xFFFFF000  }
.Ltmp1:
0x35: {  	[bflag:$0x0] =	sbarrier.arrive $0xFFFF;
	(pc) =	sbr.rel @p0 .LBB2_1-.Ltmp1, $4  }
0x36: {  	[hbm:s9], [sflag:s6] =	dma.local [spmem:s11], $0x9E0  }
0x37: {  	_ =	swait.ge [sflag:s12], $0x9E0  }
0x38: {  	[sflag:s12] =	ssyncset.done $0x0  }
0x39: {  	[sflag:s12] =	ssyncadd.s32 $0xFFFFF620  }
0x3a: {  	_ =	sfence.sel $0x180000  }
0x3b: {  	[bflag:$0x0] =	sbarrier.arrive $0xFFFF  }
0x3c: {  	p0 =	sne.s32 s0, $0x0;
	_ =	strace $0x9000004D  }
0x3d: {  	s0 =	sadd.s32 @!p0 $0x100000, s1;
	[bflag:$0x2] =	sbarrier.arrive $0xFFFF  }
0x3e: {  	[sflag:s0] =	ssyncadd.tile.s32 @!p0 $0x1;
	_ =	shalt  }
.Lfunc_end2:
_tile_overlayer_lowered:
.L_overlay_start_2:
0x3f: {  	(tag) =	ssettag $0x2  }
0x40: {  	s0 =	rddreg [dreg:$0x0];
	s2 =	stileid.u32  }
0x41: {  	s1 =	rddreg [dreg:$0x1];
	p0 =	sne.s32 s2, $0x0  }
0x42: {  	s3 =	rddreg [dreg:$0x2];
	[bflag:$0x3] =	sbarrier.arrive $0xFFFF;
	s2 =	simm.s32 @!p0 $0x1C02  }
0x43: {  	[timem:s3], [sflag:s2] =	dma.local @!p0 [hbm:s0], s1  }
0x44: {  	s0 =	simm.s32 @!p0 $0x2  }
0x45: {  	_ =	swait.ge @!p0 [sflag:s0], s1  }
0x46: {  	s1 =	ssub.s32 @!p0 $0x0, s1;
	[sflag:s0] =	ssyncset.done @!p0 $0x0  }
0x47: {  	[sflag:s0] =	ssyncadd.s32 @!p0 s1  }
0x48: {  	[bflag:$0x3] =	sbarrier.arrive $0xFFFF  }
0x49: {  	_ =	shalt  }

// kernel: kernel.22.cloned.1.call-start
scs
__scs_entry_jumppad:
0x0: {  	(pc) =	sbr.rel $0x88, $3  }
0x1: {  	(tag) =	ssettag $0x0;
	lr =	simm.s32 $0x1  }
0x2: {  	[smem:$0x3F7C] =	sst lr;
	_ =	strace $0xD0000000  }
0x3: {  	_ = 	snop  }
0x4: {  	_ = 	snop  }
0x5: {  	_ = 	snop  }
0x6: {  	_ = 	snop  }
0x7: {  	_ = 	snop  }
__scs_overlays_trampoline_lowered:
0x8: {  	[smem:$0x3F8B] =	sst s0  }
0x9: {  	[smem:$0x3F8C] =	sst s1  }
0xa: {  	[smem:$0x3F8D] =	sst s2  }
0xb: {  	[smem:$0x3F8E] =	sst s3  }
0xc: {  	[smem:$0x3F8F] =	sst s4  }
0xd: {  	[smem:$0x3F90] =	sst s5  }
0xe: {  	[smem:$0x3F91] =	sst s6  }
0xf: {  	[smem:$0x3F92] =	sst s7  }
0x10: {  	[smem:$0x3F93] =	sst s8  }
0x11: {  	[smem:$0x3F94] =	sst s9;
	s0 =	simm.s32 @!p0 $0x0  }
0x12: {  	s1 =	sld [smem:$0x3F7A];
	s0 =	simm.s32 @p0 $0x1  }
0x13: {  	[smem:$0x3F95] =	sst s0;
	s0 =	simm.s32 @!p1 $0x0  }
0x14: {  	s2 =	sld [smem:$0x3F79];
	s0 =	simm.s32 @p1 $0x1  }
0x15: {  	[smem:$0x3F96] =	sst s0;
	s0 =	simm.s32 @!p2 $0x0  }
0x16: {  	s3 =	sld [smem:$0x3FDB];
	s0 =	simm.s32 @p2 $0x1  }
0x17: {  	s4 =	simm.s32 $0x1BF5;
	[smem:$0x3F98] =	sst s0  }
0x18: {  	s0 =	sld [smem:$0x3F7B];
	_ =	swait.ge [sflag:s4], $0x0  }
0x19: {  	s7 =	sld [smem:$0x3F7C]  }
0x1a: {  	s8 =	sadd.s32 $0xFFFFE003, lr  }
0x1b: {  	s9 =	sadd.s32 $0xFFFFFEF7, lr;
	s5 =	simm.s32 $0xFFFFFFFF;
	p2 =	slt.u32 s8, $0xFFFFF086  }
0x1c: {  	p1 =	slt.u32 s9, $0xF7A;
	s5 =	simm.s32 @!p2 $0x0  }
0x1d: {  	s5 =	simm.s32 @p1 $0x1;
	p0 =	seq.s32 s7, s2  }
0x1e: {  	s7 =	smul.u32 @!p0 $0xF7A, s2;
	p2 =	seq.s32 @!p0 s5, $0x0  }
0x1f: {  	s9 =	smul.u32 $0xF7A, s1;
	s8 =	simm.s32 @!p0 $0x1BF5;
	p2 =	por !p2, p0  }
0x20: {  	[sflag:s8] =	ssyncset.s32 @!p0 $0xFFFFF086;
	s6 =	sadd.s32 @!p0 s3, s7;
	s7 =	simm.s32 @!p0 $0x108  }
0x21: {  	s3 =	sadd.s32 s3, s9;
	s6 =	sadd.s32 @!p0 $0x88, s6;
	s7 =	simm.s32 @p2 $0x1082  }
0x22: {  	[simem:s7], [sflag:s8] =	dma.local @!p0 [hbm:s6], $0xF7A  }
0x23: {  	s9 =	sor.u32 $0xD0000000, s2;
	s6 =	simm.s32 $0x108;
	_ =	swait.ge @!p0 [sflag:s8], $0x0  }
0x24: {  	s3 =	sadd.s32 $0x88, s3;
	s6 =	simm.s32 @!p1 $0x1082;
	[sflag:s4] =	ssyncset.s32 $0xFFFFF086  }
0x25: {  	[simem:s6], [sflag:s4] =	dma.local [hbm:s3], $0xF7A  }
0x26: {  	[smem:$0x3F7C] =	sst s1;
	(tag) =	ssettag s2;
	_ =	strace s9  }
0x27: {  	s1 =	sld [smem:$0x3F8C]  }
0x28: {  	s2 =	sld [smem:$0x3F8D]  }
0x29: {  	s4 =	sld [smem:$0x3F8F]  }
0x2a: {  	p0 =	seq.s32 s5, $0x0;
	s5 =	sld [smem:$0x3F90]  }
0x2b: {  	s6 =	sld [smem:$0x3F91]  }
0x2c: {  	s7 =	sld [smem:$0x3F92]  }
0x2d: {  	s3 =	simm.s32 $0x108;
	s8 =	sld [smem:$0x3F93]  }
0x2e: {  	s3 =	simm.s32 @!p0 $0x1082;
	s9 =	sld [smem:$0x3F94]  }
0x2f: {  	lr =	sadd.s32 s0, s3;
	s0 =	sld [smem:$0x3F8B]  }
0x30: {  	s3 =	sld [smem:$0x3F8E]  }
0x31: {  	[smem:$0x3F97] =	sst s10  }
0x32: {  	s10 =	sld [smem:$0x3F95];
	_ =	sdelay $0x3  }
0x33: {  	p0 =	seq.s32 s10, $0x1;
	s10 =	sld [smem:$0x3F97];
	_ =	sdelay $0x3  }
0x34: {  	[smem:$0x3F97] =	sst s10  }
0x35: {  	s10 =	sld [smem:$0x3F96];
	_ =	sdelay $0x3  }
0x36: {  	p1 =	seq.s32 s10, $0x1;
	s10 =	sld [smem:$0x3F97];
	_ =	sdelay $0x3  }
0x37: {  	[smem:$0x3F97] =	sst s10  }
0x38: {  	s10 =	sld [smem:$0x3F98]  }
0x39: {  	_ = 	snop;
	(pc) =	sbr.ind lr, $3  }
0x3a: {  	_ = 	snop  }
0x3b: {  	_ = 	snop  }
0x3c: {  	p2 =	seq.s32 s10, $0x1;
	s10 =	sld [smem:$0x3F97]  }
0x3d: {  	_ =	shalt  }
0x3e: {  	_ =	shalt  }
0x3f: {  	_ =	shalt  }
0x40: {  	_ =	shalt  }
0x41: {  	_ =	shalt  }
0x42: {  	_ =	shalt  }
0x43: {  	_ =	shalt  }
0x44: {  	_ =	shalt  }
0x45: {  	_ =	shalt  }
0x46: {  	_ =	shalt  }
0x47: {  	_ =	shalt  }
0x48: {  	_ =	shalt  }
0x49: {  	_ =	shalt  }
0x4a: {  	_ =	shalt  }
0x4b: {  	_ =	shalt  }
0x4c: {  	_ =	shalt  }
0x4d: {  	_ =	shalt  }
0x4e: {  	_ =	shalt  }
0x4f: {  	_ =	shalt  }
0x50: {  	_ =	shalt  }
0x51: {  	_ =	shalt  }
0x52: {  	_ =	shalt  }
0x53: {  	_ =	shalt  }
0x54: {  	_ =	shalt  }
0x55: {  	_ =	shalt  }
0x56: {  	_ =	shalt  }
0x57: {  	_ =	shalt  }
0x58: {  	_ =	shalt  }
0x59: {  	_ =	shalt  }
0x5a: {  	_ =	shalt  }
0x5b: {  	_ =	shalt  }
0x5c: {  	_ =	shalt  }
0x5d: {  	_ =	shalt  }
0x5e: {  	_ =	shalt  }
0x5f: {  	_ =	shalt  }
0x60: {  	_ =	shalt  }
0x61: {  	_ =	shalt  }
0x62: {  	_ =	shalt  }
0x63: {  	_ =	shalt  }
0x64: {  	_ =	shalt  }
0x65: {  	_ =	shalt  }
0x66: {  	_ =	shalt  }
0x67: {  	_ =	shalt  }
0x68: {  	_ =	shalt  }
0x69: {  	_ =	shalt  }
0x6a: {  	_ =	shalt  }
0x6b: {  	_ =	shalt  }
0x6c: {  	_ =	shalt  }
0x6d: {  	_ =	shalt  }
0x6e: {  	_ =	shalt  }
0x6f: {  	_ =	shalt  }
0x70: {  	_ =	shalt  }
0x71: {  	_ =	shalt  }
0x72: {  	_ =	shalt  }
0x73: {  	_ =	shalt  }
0x74: {  	_ =	shalt  }
0x75: {  	_ =	shalt  }
0x76: {  	_ =	shalt  }
0x77: {  	_ =	shalt  }
0x78: {  	_ =	shalt  }
0x79: {  	_ =	shalt  }
0x7a: {  	_ =	shalt  }
0x7b: {  	_ =	shalt  }
0x7c: {  	_ =	shalt  }
0x7d: {  	_ =	shalt  }
0x7e: {  	_ =	shalt  }
0x7f: {  	_ =	shalt  }
0x80: {  	_ =	shalt  }
0x81: {  	_ =	shalt  }
0x82: {  	_ =	shalt  }
0x83: {  	_ =	shalt  }
0x84: {  	_ =	shalt  }
0x85: {  	_ =	shalt  }
0x86: {  	_ =	shalt  }
0x87: {  	_ =	shalt  }
.Lfunc_end0:
.L_simem_size_0:
called_computation.3_lowered:
.L_overlay_start_0:
0x88: {  	s2 =	sld [smem:$0x3FD9]  }
0x89: {  	s3 =	sld [smem:$0x3FFE];
	_ =	sdelay $0x1  }
0x8a: {  	s1 =	srdreg.scid  }
0x8b: {  	s0 =	sand.u32 $0x1, s1  }
0x8c: {  	s16 =	sshll.u32 s0, $0xA;
	s2 =	sadd.s32 s3, s2  }
0x8d: {  	s2 =	sadd.s32 s2, s16  }
0x8e: {  	[smem:$0x3FA3] =	sst s2  }
0x8f: {  	_ = 	snop  }
0x90: {  	(tm) =	ssettm $0x1  }
0x91: {  	s17 =	sld [smem:$0x3FFB];
	_ =	sdelay $0x3  }
0x92: {  	_ =	strace s17  }
0x93: {  	s2 =	sld [smem:$0x3FFC];
	_ =	sdelay $0x3  }
0x94: {  	_ =	strace s2  }
0x95: {  	s2 =	sld [smem:$0x3FFD];
	_ =	sdelay $0x3  }
0x96: {  	_ =	strace s2  }
0x97: {  	_ =	strace $0x8FFFFFFF  }
0x98: {  	s18 =	sld [smem:$0x3FDB];
	_ =	sdelay $0x1  }
0x99: {  	s19 =	simm.s32 $_scs_section_size  }
0x9a: {  	s4 =	simm.s32 $_size__tile_overlayer_lowered;
	s5 =	simm.s32 $_tile_overlayer_lowered  }
0x9b: {  	s22 =	simm.s32 $0x1BFF;
	s21 =	sshll.u32 s5, $0x1;
	s2 =	sadd.s32 s19, s18  }
0x9c: {  	s6 =	simm.s32 $0x0;
	s20 =	sshll.u32 s4, $0x1;
	s4 =	sadd.s32 s21, s2  }
0x9d: {  	[timem:s6], [sflag:s22] =	dma.local [hbm:s4], s20  }
0x9e: {  	_ =	swait.ge [sflag:s22], s20  }
0x9f: {  	s3 =	ssub.s32 $0x0, s20;
	[sflag:s22] =	ssyncset.done $0x0  }
0xa0: {  	[sflag:s22] =	ssyncadd.s32 s3;
	_ =	sdelay $0x1  }
0xa1: {  	s23 =	simm.s32 $0x1B8B  }
0xa2: {  	_ =	swait.ge [sflag:s23], $0x1  }
0xa3: {  	[sflag:s23] =	ssyncset.done $0x0  }
0xa4: {  	s25 =	simm.s32 $0x1B8E;
	s24 =	sld [smem:$0x3FFE];
	[sflag:s23] =	ssyncadd.s32 $0xFFFFFFFF  }
0xa5: {  	s26 =	simm.s32 $execute0_lowered;
	[smem:$0x3FD2] =	sst s25  }
0xa6: {  	s4 =	sshll.u32 s26, $0x1;
	_ =	strace $0x8000004F;
	[dreg:$0x1] =	wrdreg $0xFFFFFFFF  }
0xa7: {  	s28 =	simm.s32 $_size_execute0_lowered;
	s2 =	sadd.s32 s2, s4;
	[dreg:$0x0] =	wrdreg $0x0  }
0xa8: {  	s4 =	sshll.u32 s28, $0x1;
	[dreg:$0x2] =	wrdreg s2  }
0xa9: {  	[dreg:$0x3] =	wrdreg s4  }
0xaa: {  	[dreg:$0x4] =	wrdreg $0xC0  }
0xab: {  	_ =	task [dreg:s6], $0x5FFFF  }
0xac: {  	[dreg:$0x1] =	wrdreg $0xFFFFFFFF  }
0xad: {  	[dreg:$0x0] =	wrdreg $0x60  }
0xae: {  	[dreg:$0x2] =	wrdreg s24  }
0xaf: {  	[dreg:$0x3] =	wrdreg $0x5F000  }
0xb0: {  	[dreg:$0x4] =	wrdreg $0x9  }
0xb1: {  	_ =	task.clear_ibuf [dreg:s6], $0x5FFFF;
	_ =	strace $0x9000004F  }
0xb2: {  	s29 =	simm.s32 $0x9;
	_ =	strace $0x80000051  }
0xb3: {  	_ =	swait.ge [sflag:s29], $0x1  }
0xb4: {  	[sflag:s29] =	ssyncadd.s32 $0xFFFFFFFF  }
0xb5: {  	_ =	strace $0x90000051  }
0xb6: {  	_ =	sfence  }
0xb7: {  	s30 =	sld [smem:$0x0];
	_ =	sdelay $0x2  }
0xb8: {  	s31 =	sshll.u32 s1, $0xD;
	s1 =	sshrl.u32 s1, $0x2  }
0xb9: {  	s3 =	sand.u32 $0x4000, s31;
	s1 =	sadd.s32 s1, s30  }
0xba: {  	s0 =	sor.u32 s3, s0;
	s1 =	sshll.u32 s1, $0x11  }
0xbb: {  	s0 =	sor.u32 s1, s0  }
0xbc: {  	s0 =	sadd.s32 $0x8F2B, s0  }
0xbd: {  	[sflag:s0] =	ssyncadd.remote.s32 $0x1  }
0xbe: {  	_ =	sfence.sel $0xFFFF  }
0xbf: {  	[dreg:$0x0] =	wrdreg $0xFFFFFFFF;
	(pc) =	sbr.abs _section_cstart, $3  }
0xc0: {  	[dreg:$0x1] =	wrdreg $0xFFFFFFFF  }
0xc1: {  	_ =	task.clear_ibuf [dreg:s6], $0x2FFFF;
	_ =	strace $0x9FFFFFFF  }
0xc2: {  	(tm) =	ssettm $0x7FFFFFFF  }
0xc3: {  	_ =	shalt  }
tec
execute0_lowered:
.L_overlay_start_1:
0x0: {  	(tag) =	ssettag $0x1  }
0x1: {  	s6 =	rddreg [dreg:$0x0]  }
0x2: {  	s0 =	srdreg.scid;
	s2 =	rddreg [dreg:$0x1]  }
0x3: {  	s3 =	simm.s32 $0x0;
	s14 =	simm.s32 $0x80;
	s15 =	simm.s32 $0x4F00  }
0x4: {  	s16 =	simm.s32 $0x1;
	s5 =	sand.u32 $0x1, s0;
	s0 =	stileid.u32  }
0x5: {  	s17 =	simm.s32 $0x0;
	[smem:$0x7FF] =	sst s3;
	s7 =	smul.u32 $0x4F00, s0  }
0x6: {  	s1 =	sshll.u32 s5, $0x4;
	s8 =	smul.u32 $0x4F000, s5;
	s5 =	ssub.s32 $0x2, s5  }
0x7: {  	s31 =	sshll.u32 s0, $0x6;
	s1 =	sor.u32 s0, s1;
	s11 =	sshrl.u32 s5, $0x1  }
0x8: {  	s4 =	smul.u32 $0x4F0, s1;
	s1 =	rddreg [dreg:$0x2];
	_ =	strace $0x80000050  }
0x9: {  	s8 =	sadd.s32 s7, s8;
	s10 =	sshrl.u32 s7, $0x3;
	s11 =	ssub.s32 s5, s11  }
0xa: {  	s13 =	sadd.s32 s7, s2;
	s8 =	sshrl.u32 s8, $0x3;
	s10 =	sadd.s32 s10, s6  }
0xb: {  	s9 =	sadd.s32 s4, s6;
	s4 =	sadd.s32 $0x5400, s6;
	s12 =	sadd.s32 s8, s6  }
0xc: {  	s5 =	sadd.s32 $0x22E00, s10;
	s6 =	sor.u32 $0x1C02, s31;
	s10 =	smax.u32 s11, $0x1  }
0xd: {  	s11 =	sshrl.u32 s13, $0x3;
	s13 =	simm.s32 $0x2780;
	s7 =	sadd.s32 $0x19000, s9  }
0xe: {  	s8 =	sadd.s32 $0xF200, s9;
	s9 =	sadd.s32 $0x2CC00, s12;
	s12 =	simm.s32 $0x2  }
.LBB2_1:
0xf: {  	[spmem:s11], [sflag:s6] =	dma.local [hbm:s5], $0x9E0  }
0x10: {  	_ =	swait.ge [sflag:s12], $0x9E0  }
0x11: {  	[sflag:s12] =	ssyncset.done $0x0  }
0x12: {  	[sflag:s12] =	ssyncadd.s32 $0xFFFFF620  }
0x13: {  	[tilespmem:s3], [sflag:$0x2] =	stream.linear.gather [hbm4b:s7+s3], $0x2780, $0x38;
	[tilespmem:$0xAE00] =	vst v63  }
0x14: {  	_ =	swait.ge [sflag:s12], $0x2780  }
0x15: {  	[sflag:s12] =	ssyncset.done $0x0  }
0x16: {  	[sflag:s12] =	ssyncadd.s32 $0xFFFFD880  }
0x17: {  	[tilespmem:s13], [sflag:$0x2] =	stream.linear.gather [hbm4b:s8+s3], $0x2780, $0x38;
	[tilespmem:$0xAE00] =	vst v63  }
0x18: {  	_ =	swait.ge [sflag:s12], $0x2780  }
0x19: {  	[sflag:s12] =	ssyncset.done $0x0  }
0x1a: {  	[sflag:s12] =	ssyncadd.s32 $0xFFFFD880  }
0x1b: {  	s18 =	simm.s32 $0x0;
	[bflag:$0x0] =	sbarrier.arrive $0xFFFF  }
0x1c: {  	[tilespmem:s15], [sflag:$0x1] =	stream.indirect.gather [hbm4b:s4+s14], $0x20, s18, s14, $0xb8;
	[tilespmem:$0xAE00] =	vst v63  }
0x1d: {  	_ =	swait.ge [sflag:s16], $0x1000  }
0x1e: {  	[sflag:s16] =	ssyncset.done $0x0  }
0x1f: {  	s31 =	simm.s32 $0x2780;
	[sflag:s16] =	ssyncadd.s32 $0xFFFFF000  }
0x20: {  	[spmem:s2] =	stream.indirect.scatter.add.f32 [tilespmem:s15], [sflag:$0x2], $0x20, s31, s14, $0xb8;
	[tilespmem:$0xAE00] =	vst v63  }
0x21: {  	_ =	swait.ge [sflag:s12], $0x1000  }
0x22: {  	s19 =	simm.s32 $0x400;
	s18 =	simm.s32 $0x200;
	[sflag:s12] =	ssyncset.done $0x0  }
.LBB2_2:
0x23: {  	s20 =	sshra.s32 s18, $0x2  }
0x24: {  	[sflag:s12] =	ssyncadd.s32 $0xFFFFF000;
	s18 =	smov.u32 s19;
	s21 =	sadd.s32 $0x200, s19  }
0x25: {  	[tilespmem:s15], [sflag:$0x1] =	stream.indirect.gather [hbm4b:s4+s14], $0x20, s20, s14, $0xb8;
	[tilespmem:$0xAE00] =	vst v63  }
0x26: {  	p0 =	sne.s32 s19, $0x9C00;
	_ =	swait.ge [sflag:s16], $0x1000  }
.Ltmp0:
0x27: {  	[sflag:s16] =	ssyncset.done $0x0;
	(pc) =	sbr.rel @p0 .LBB2_2-.Ltmp0, $4  }
0x28: {  	s19 =	sadd.s32 $0x2780, s20;
	[sflag:s16] =	ssyncadd.s32 $0xFFFFF000  }
0x29: {  	[spmem:s2] =	stream.indirect.scatter.add.f32 [tilespmem:s15], [sflag:$0x2], $0x20, s19, s14, $0xb8;
	[tilespmem:$0xAE00] =	vst v63  }
0x2a: {  	_ =	swait.ge [sflag:s12], $0x1000  }
0x2b: {  	s19 =	smov.u32 s21;
	[sflag:s12] =	ssyncset.done $0x0  }
0x2c: {  	s18 =	sshra.s32 s18, $0x2;
	[sflag:s12] =	ssyncadd.s32 $0xFFFFF000  }
0x2d: {  	[tilespmem:s15], [sflag:$0x1] =	stream.indirect.gather [hbm4b:s4+s14], $0x20, s18, s14, $0xb8;
	[tilespmem:$0xAE00] =	vst v63  }
0x2e: {  	_ =	swait.ge [sflag:s16], $0x1000  }
0x2f: {  	[sflag:s16] =	ssyncset.done $0x0  }
0x30: {  	s18 =	sadd.s32 $0x2780, s18;
	[sflag:s16] =	ssyncadd.s32 $0xFFFFF000  }
0x31: {  	[spmem:s2] =	stream.indirect.scatter.add.f32 [tilespmem:s15], [sflag:$0x2], $0x20, s18, s14, $0xb8;
	[tilespmem:$0xAE00] =	vst v63  }
0x32: {  	_ =	swait.ge [sflag:s12], $0x1000  }
0x33: {  	s17 =	sadd.s32 $0x1, s17;
	[sflag:s12] =	ssyncset.done $0x0  }
0x34: {  	p0 =	sne.s32 s17, s10;
	[sflag:s12] =	ssyncadd.s32 $0xFFFFF000  }
.Ltmp1:
0x35: {  	[bflag:$0x0] =	sbarrier.arrive $0xFFFF;
	(pc) =	sbr.rel @p0 .LBB2_1-.Ltmp1, $4  }
0x36: {  	[hbm:s9], [sflag:s6] =	dma.local [spmem:s11], $0x9E0  }
0x37: {  	_ =	swait.ge [sflag:s12], $0x9E0  }
0x38: {  	[sflag:s12] =	ssyncset.done $0x0  }
0x39: {  	[sflag:s12] =	ssyncadd.s32 $0xFFFFF620  }
0x3a: {  	_ =	sfence.sel $0x180000  }
0x3b: {  	[bflag:$0x0] =	sbarrier.arrive $0xFFFF  }
0x3c: {  	p0 =	sne.s32 s0, $0x0;
	_ =	strace $0x90000050  }
0x3d: {  	s0 =	sadd.s32 @!p0 $0x100000, s1;
	[bflag:$0x2] =	sbarrier.arrive $0xFFFF  }
0x3e: {  	[sflag:s0] =	ssyncadd.tile.s32 @!p0 $0x1;
	_ =	shalt  }
.Lfunc_end2:
_tile_overlayer_lowered:
.L_overlay_start_2:
0x3f: {  	(tag) =	ssettag $0x2  }
0x40: {  	s0 =	rddreg [dreg:$0x0];
	s2 =	stileid.u32  }
0x41: {  	s1 =	rddreg [dreg:$0x1];
	p0 =	sne.s32 s2, $0x0  }
0x42: {  	s3 =	rddreg [dreg:$0x2];
	[bflag:$0x3] =	sbarrier.arrive $0xFFFF;
	s2 =	simm.s32 @!p0 $0x1C02  }
0x43: {  	[timem:s3], [sflag:s2] =	dma.local @!p0 [hbm:s0], s1  }
0x44: {  	s0 =	simm.s32 @!p0 $0x2  }
0x45: {  	_ =	swait.ge @!p0 [sflag:s0], s1  }
0x46: {  	s1 =	ssub.s32 @!p0 $0x0, s1;
	[sflag:s0] =	ssyncset.done @!p0 $0x0  }
0x47: {  	[sflag:s0] =	ssyncadd.s32 @!p0 s1  }
0x48: {  	[bflag:$0x3] =	sbarrier.arrive $0xFFFF  }
0x49: {  	_ =	shalt  }

// kernel: kernel.25.cloned.1.call-start
scs
__scs_entry_jumppad:
0x0: {  	(pc) =	sbr.rel $0x88, $3  }
0x1: {  	(tag) =	ssettag $0x0;
	lr =	simm.s32 $0x1  }
0x2: {  	[smem:$0x3F7C] =	sst lr;
	_ =	strace $0xD0000000  }
0x3: {  	_ = 	snop  }
0x4: {  	_ = 	snop  }
0x5: {  	_ = 	snop  }
0x6: {  	_ = 	snop  }
0x7: {  	_ = 	snop  }
__scs_overlays_trampoline_lowered:
0x8: {  	[smem:$0x3F8B] =	sst s0  }
0x9: {  	[smem:$0x3F8C] =	sst s1  }
0xa: {  	[smem:$0x3F8D] =	sst s2  }
0xb: {  	[smem:$0x3F8E] =	sst s3  }
0xc: {  	[smem:$0x3F8F] =	sst s4  }
0xd: {  	[smem:$0x3F90] =	sst s5  }
0xe: {  	[smem:$0x3F91] =	sst s6  }
0xf: {  	[smem:$0x3F92] =	sst s7  }
0x10: {  	[smem:$0x3F93] =	sst s8  }
0x11: {  	[smem:$0x3F94] =	sst s9;
	s0 =	simm.s32 @!p0 $0x0  }
0x12: {  	s1 =	sld [smem:$0x3F7A];
	s0 =	simm.s32 @p0 $0x1  }
0x13: {  	[smem:$0x3F95] =	sst s0;
	s0 =	simm.s32 @!p1 $0x0  }
0x14: {  	s2 =	sld [smem:$0x3F79];
	s0 =	simm.s32 @p1 $0x1  }
0x15: {  	[smem:$0x3F96] =	sst s0;
	s0 =	simm.s32 @!p2 $0x0  }
0x16: {  	s3 =	sld [smem:$0x3FDB];
	s0 =	simm.s32 @p2 $0x1  }
0x17: {  	s4 =	simm.s32 $0x1BF5;
	[smem:$0x3F98] =	sst s0  }
0x18: {  	s0 =	sld [smem:$0x3F7B];
	_ =	swait.ge [sflag:s4], $0x0  }
0x19: {  	s7 =	sld [smem:$0x3F7C]  }
0x1a: {  	s8 =	sadd.s32 $0xFFFFE003, lr  }
0x1b: {  	s9 =	sadd.s32 $0xFFFFFEF7, lr;
	s5 =	simm.s32 $0xFFFFFFFF;
	p2 =	slt.u32 s8, $0xFFFFF086  }
0x1c: {  	p1 =	slt.u32 s9, $0xF7A;
	s5 =	simm.s32 @!p2 $0x0  }
0x1d: {  	s5 =	simm.s32 @p1 $0x1;
	p0 =	seq.s32 s7, s2  }
0x1e: {  	s7 =	smul.u32 @!p0 $0xF7A, s2;
	p2 =	seq.s32 @!p0 s5, $0x0  }
0x1f: {  	s9 =	smul.u32 $0xF7A, s1;
	s8 =	simm.s32 @!p0 $0x1BF5;
	p2 =	por !p2, p0  }
0x20: {  	[sflag:s8] =	ssyncset.s32 @!p0 $0xFFFFF086;
	s6 =	sadd.s32 @!p0 s3, s7;
	s7 =	simm.s32 @!p0 $0x108  }
0x21: {  	s3 =	sadd.s32 s3, s9;
	s6 =	sadd.s32 @!p0 $0x88, s6;
	s7 =	simm.s32 @p2 $0x1082  }
0x22: {  	[simem:s7], [sflag:s8] =	dma.local @!p0 [hbm:s6], $0xF7A  }
0x23: {  	s9 =	sor.u32 $0xD0000000, s2;
	s6 =	simm.s32 $0x108;
	_ =	swait.ge @!p0 [sflag:s8], $0x0  }
0x24: {  	s3 =	sadd.s32 $0x88, s3;
	s6 =	simm.s32 @!p1 $0x1082;
	[sflag:s4] =	ssyncset.s32 $0xFFFFF086  }
0x25: {  	[simem:s6], [sflag:s4] =	dma.local [hbm:s3], $0xF7A  }
0x26: {  	[smem:$0x3F7C] =	sst s1;
	(tag) =	ssettag s2;
	_ =	strace s9  }
0x27: {  	s1 =	sld [smem:$0x3F8C]  }
0x28: {  	s2 =	sld [smem:$0x3F8D]  }
0x29: {  	s4 =	sld [smem:$0x3F8F]  }
0x2a: {  	p0 =	seq.s32 s5, $0x0;
	s5 =	sld [smem:$0x3F90]  }
0x2b: {  	s6 =	sld [smem:$0x3F91]  }
0x2c: {  	s7 =	sld [smem:$0x3F92]  }
0x2d: {  	s3 =	simm.s32 $0x108;
	s8 =	sld [smem:$0x3F93]  }
0x2e: {  	s3 =	simm.s32 @!p0 $0x1082;
	s9 =	sld [smem:$0x3F94]  }
0x2f: {  	lr =	sadd.s32 s0, s3;
	s0 =	sld [smem:$0x3F8B]  }
0x30: {  	s3 =	sld [smem:$0x3F8E]  }
0x31: {  	[smem:$0x3F97] =	sst s10  }
0x32: {  	s10 =	sld [smem:$0x3F95];
	_ =	sdelay $0x3  }
0x33: {  	p0 =	seq.s32 s10, $0x1;
	s10 =	sld [smem:$0x3F97];
	_ =	sdelay $0x3  }
0x34: {  	[smem:$0x3F97] =	sst s10  }
0x35: {  	s10 =	sld [smem:$0x3F96];
	_ =	sdelay $0x3  }
0x36: {  	p1 =	seq.s32 s10, $0x1;
	s10 =	sld [smem:$0x3F97];
	_ =	sdelay $0x3  }
0x37: {  	[smem:$0x3F97] =	sst s10  }
0x38: {  	s10 =	sld [smem:$0x3F98]  }
0x39: {  	_ = 	snop;
	(pc) =	sbr.ind lr, $3  }
0x3a: {  	_ = 	snop  }
0x3b: {  	_ = 	snop  }
0x3c: {  	p2 =	seq.s32 s10, $0x1;
	s10 =	sld [smem:$0x3F97]  }
0x3d: {  	_ =	shalt  }
0x3e: {  	_ =	shalt  }
0x3f: {  	_ =	shalt  }
0x40: {  	_ =	shalt  }
0x41: {  	_ =	shalt  }
0x42: {  	_ =	shalt  }
0x43: {  	_ =	shalt  }
0x44: {  	_ =	shalt  }
0x45: {  	_ =	shalt  }
0x46: {  	_ =	shalt  }
0x47: {  	_ =	shalt  }
0x48: {  	_ =	shalt  }
0x49: {  	_ =	shalt  }
0x4a: {  	_ =	shalt  }
0x4b: {  	_ =	shalt  }
0x4c: {  	_ =	shalt  }
0x4d: {  	_ =	shalt  }
0x4e: {  	_ =	shalt  }
0x4f: {  	_ =	shalt  }
0x50: {  	_ =	shalt  }
0x51: {  	_ =	shalt  }
0x52: {  	_ =	shalt  }
0x53: {  	_ =	shalt  }
0x54: {  	_ =	shalt  }
0x55: {  	_ =	shalt  }
0x56: {  	_ =	shalt  }
0x57: {  	_ =	shalt  }
0x58: {  	_ =	shalt  }
0x59: {  	_ =	shalt  }
0x5a: {  	_ =	shalt  }
0x5b: {  	_ =	shalt  }
0x5c: {  	_ =	shalt  }
0x5d: {  	_ =	shalt  }
0x5e: {  	_ =	shalt  }
0x5f: {  	_ =	shalt  }
0x60: {  	_ =	shalt  }
0x61: {  	_ =	shalt  }
0x62: {  	_ =	shalt  }
0x63: {  	_ =	shalt  }
0x64: {  	_ =	shalt  }
0x65: {  	_ =	shalt  }
0x66: {  	_ =	shalt  }
0x67: {  	_ =	shalt  }
0x68: {  	_ =	shalt  }
0x69: {  	_ =	shalt  }
0x6a: {  	_ =	shalt  }
0x6b: {  	_ =	shalt  }
0x6c: {  	_ =	shalt  }
0x6d: {  	_ =	shalt  }
0x6e: {  	_ =	shalt  }
0x6f: {  	_ =	shalt  }
0x70: {  	_ =	shalt  }
0x71: {  	_ =	shalt  }
0x72: {  	_ =	shalt  }
0x73: {  	_ =	shalt  }
0x74: {  	_ =	shalt  }
0x75: {  	_ =	shalt  }
0x76: {  	_ =	shalt  }
0x77: {  	_ =	shalt  }
0x78: {  	_ =	shalt  }
0x79: {  	_ =	shalt  }
0x7a: {  	_ =	shalt  }
0x7b: {  	_ =	shalt  }
0x7c: {  	_ =	shalt  }
0x7d: {  	_ =	shalt  }
0x7e: {  	_ =	shalt  }
0x7f: {  	_ =	shalt  }
0x80: {  	_ =	shalt  }
0x81: {  	_ =	shalt  }
0x82: {  	_ =	shalt  }
0x83: {  	_ =	shalt  }
0x84: {  	_ =	shalt  }
0x85: {  	_ =	shalt  }
0x86: {  	_ =	shalt  }
0x87: {  	_ =	shalt  }
.Lfunc_end0:
.L_simem_size_0:
called_computation.4_lowered:
.L_overlay_start_0:
0x88: {  	s2 =	sld [smem:$0x3FD9]  }
0x89: {  	s3 =	sld [smem:$0x3FFE];
	_ =	sdelay $0x1  }
0x8a: {  	s1 =	srdreg.scid  }
0x8b: {  	s0 =	sand.u32 $0x1, s1  }
0x8c: {  	s16 =	sshll.u32 s0, $0xA;
	s2 =	sadd.s32 s3, s2  }
0x8d: {  	s2 =	sadd.s32 s2, s16  }
0x8e: {  	[smem:$0x3FA3] =	sst s2  }
0x8f: {  	_ = 	snop  }
0x90: {  	(tm) =	ssettm $0x1  }
0x91: {  	s17 =	sld [smem:$0x3FFB];
	_ =	sdelay $0x3  }
0x92: {  	_ =	strace s17  }
0x93: {  	s2 =	sld [smem:$0x3FFC];
	_ =	sdelay $0x3  }
0x94: {  	_ =	strace s2  }
0x95: {  	s2 =	sld [smem:$0x3FFD];
	_ =	sdelay $0x3  }
0x96: {  	_ =	strace s2  }
0x97: {  	_ =	strace $0x8FFFFFFF  }
0x98: {  	s18 =	sld [smem:$0x3FDB];
	_ =	sdelay $0x1  }
0x99: {  	s19 =	simm.s32 $_scs_section_size  }
0x9a: {  	s4 =	simm.s32 $_size__tile_overlayer_lowered;
	s5 =	simm.s32 $_tile_overlayer_lowered  }
0x9b: {  	s22 =	simm.s32 $0x1BFF;
	s21 =	sshll.u32 s5, $0x1;
	s2 =	sadd.s32 s19, s18  }
0x9c: {  	s6 =	simm.s32 $0x0;
	s20 =	sshll.u32 s4, $0x1;
	s4 =	sadd.s32 s21, s2  }
0x9d: {  	[timem:s6], [sflag:s22] =	dma.local [hbm:s4], s20  }
0x9e: {  	_ =	swait.ge [sflag:s22], s20  }
0x9f: {  	s3 =	ssub.s32 $0x0, s20;
	[sflag:s22] =	ssyncset.done $0x0  }
0xa0: {  	[sflag:s22] =	ssyncadd.s32 s3;
	_ =	sdelay $0x1  }
0xa1: {  	s23 =	simm.s32 $0x1B8B  }
0xa2: {  	_ =	swait.ge [sflag:s23], $0x1  }
0xa3: {  	[sflag:s23] =	ssyncset.done $0x0  }
0xa4: {  	s25 =	simm.s32 $0x1B8E;
	s24 =	sld [smem:$0x3FFE];
	[sflag:s23] =	ssyncadd.s32 $0xFFFFFFFF  }
0xa5: {  	s26 =	simm.s32 $execute0_lowered;
	[smem:$0x3FD2] =	sst s25  }
0xa6: {  	s4 =	sshll.u32 s26, $0x1;
	_ =	strace $0x80000052;
	[dreg:$0x1] =	wrdreg $0xFFFFFFFF  }
0xa7: {  	s28 =	simm.s32 $_size_execute0_lowered;
	s2 =	sadd.s32 s2, s4;
	[dreg:$0x0] =	wrdreg $0x0  }
0xa8: {  	s4 =	sshll.u32 s28, $0x1;
	[dreg:$0x2] =	wrdreg s2  }
0xa9: {  	[dreg:$0x3] =	wrdreg s4  }
0xaa: {  	[dreg:$0x4] =	wrdreg $0xC0  }
0xab: {  	_ =	task [dreg:s6], $0x5FFFF  }
0xac: {  	[dreg:$0x1] =	wrdreg $0xFFFFFFFF  }
0xad: {  	[dreg:$0x0] =	wrdreg $0x60  }
0xae: {  	[dreg:$0x2] =	wrdreg s24  }
0xaf: {  	[dreg:$0x3] =	wrdreg $0x5F000  }
0xb0: {  	[dreg:$0x4] =	wrdreg $0x9  }
0xb1: {  	_ =	task.clear_ibuf [dreg:s6], $0x5FFFF;
	_ =	strace $0x90000052  }
0xb2: {  	s29 =	simm.s32 $0x9;
	_ =	strace $0x80000054  }
0xb3: {  	_ =	swait.ge [sflag:s29], $0x1  }
0xb4: {  	[sflag:s29] =	ssyncadd.s32 $0xFFFFFFFF  }
0xb5: {  	_ =	strace $0x90000054  }
0xb6: {  	_ =	sfence  }
0xb7: {  	s30 =	sld [smem:$0x0];
	_ =	sdelay $0x2  }
0xb8: {  	s31 =	sshll.u32 s1, $0xD;
	s1 =	sshrl.u32 s1, $0x2  }
0xb9: {  	s3 =	sand.u32 $0x4000, s31;
	s1 =	sadd.s32 s1, s30  }
0xba: {  	s0 =	sor.u32 s3, s0;
	s1 =	sshll.u32 s1, $0x11  }
0xbb: {  	s0 =	sor.u32 s1, s0  }
0xbc: {  	s0 =	sadd.s32 $0x8F2B, s0  }
0xbd: {  	[sflag:s0] =	ssyncadd.remote.s32 $0x1  }
0xbe: {  	_ =	sfence.sel $0xFFFF  }
0xbf: {  	[dreg:$0x0] =	wrdreg $0xFFFFFFFF;
	(pc) =	sbr.abs _section_cstart, $3  }
0xc0: {  	[dreg:$0x1] =	wrdreg $0xFFFFFFFF  }
0xc1: {  	_ =	task.clear_ibuf [dreg:s6], $0x2FFFF;
	_ =	strace $0x9FFFFFFF  }
0xc2: {  	(tm) =	ssettm $0x7FFFFFFF  }
0xc3: {  	_ =	shalt  }
tec
execute0_lowered:
.L_overlay_start_1:
0x0: {  	(tag) =	ssettag $0x1  }
0x1: {  	s6 =	rddreg [dreg:$0x0]  }
0x2: {  	s0 =	srdreg.scid;
	s2 =	rddreg [dreg:$0x1]  }
0x3: {  	s3 =	simm.s32 $0x0;
	s14 =	simm.s32 $0x80;
	s15 =	simm.s32 $0x4F00  }
0x4: {  	s16 =	simm.s32 $0x1;
	s5 =	sand.u32 $0x1, s0;
	s0 =	stileid.u32  }
0x5: {  	s17 =	simm.s32 $0x0;
	[smem:$0x7FF] =	sst s3;
	s7 =	smul.u32 $0x4F00, s0  }
0x6: {  	s1 =	sshll.u32 s5, $0x4;
	s8 =	smul.u32 $0x4F000, s5;
	s5 =	ssub.s32 $0x2, s5  }
0x7: {  	s31 =	sshll.u32 s0, $0x6;
	s1 =	sor.u32 s0, s1;
	s11 =	sshrl.u32 s5, $0x1  }
0x8: {  	s4 =	smul.u32 $0x4F0, s1;
	s1 =	rddreg [dreg:$0x2];
	_ =	strace $0x80000053  }
0x9: {  	s8 =	sadd.s32 s7, s8;
	s10 =	sshrl.u32 s7, $0x3;
	s11 =	ssub.s32 s5, s11  }
0xa: {  	s13 =	sadd.s32 s7, s2;
	s8 =	sshrl.u32 s8, $0x3;
	s10 =	sadd.s32 s10, s6  }
0xb: {  	s9 =	sadd.s32 s4, s6;
	s4 =	sadd.s32 $0x5400, s6;
	s12 =	sadd.s32 s8, s6  }
0xc: {  	s5 =	sadd.s32 $0x22E00, s10;
	s6 =	sor.u32 $0x1C02, s31;
	s10 =	smax.u32 s11, $0x1  }
0xd: {  	s11 =	sshrl.u32 s13, $0x3;
	s13 =	simm.s32 $0x2780;
	s7 =	sadd.s32 $0x19000, s9  }
0xe: {  	s8 =	sadd.s32 $0xF200, s9;
	s9 =	sadd.s32 $0x2CC00, s12;
	s12 =	simm.s32 $0x2  }
.LBB2_1:
0xf: {  	[spmem:s11], [sflag:s6] =	dma.local [hbm:s5], $0x9E0  }
0x10: {  	_ =	swait.ge [sflag:s12], $0x9E0  }
0x11: {  	[sflag:s12] =	ssyncset.done $0x0  }
0x12: {  	[sflag:s12] =	ssyncadd.s32 $0xFFFFF620  }
0x13: {  	[tilespmem:s3], [sflag:$0x2] =	stream.linear.gather [hbm4b:s7+s3], $0x2780, $0x38;
	[tilespmem:$0xAE00] =	vst v63  }
0x14: {  	_ =	swait.ge [sflag:s12], $0x2780  }
0x15: {  	[sflag:s12] =	ssyncset.done $0x0  }
0x16: {  	[sflag:s12] =	ssyncadd.s32 $0xFFFFD880  }
0x17: {  	[tilespmem:s13], [sflag:$0x2] =	stream.linear.gather [hbm4b:s8+s3], $0x2780, $0x38;
	[tilespmem:$0xAE00] =	vst v63  }
0x18: {  	_ =	swait.ge [sflag:s12], $0x2780  }
0x19: {  	[sflag:s12] =	ssyncset.done $0x0  }
0x1a: {  	[sflag:s12] =	ssyncadd.s32 $0xFFFFD880  }
0x1b: {  	s18 =	simm.s32 $0x0;
	[bflag:$0x0] =	sbarrier.arrive $0xFFFF  }
0x1c: {  	[tilespmem:s15], [sflag:$0x1] =	stream.indirect.gather [hbm4b:s4+s14], $0x20, s18, s14, $0xb8;
	[tilespmem:$0xAE00] =	vst v63  }
0x1d: {  	_ =	swait.ge [sflag:s16], $0x1000  }
0x1e: {  	[sflag:s16] =	ssyncset.done $0x0  }
0x1f: {  	s31 =	simm.s32 $0x2780;
	[sflag:s16] =	ssyncadd.s32 $0xFFFFF000  }
0x20: {  	[spmem:s2] =	stream.indirect.scatter.add.f32 [tilespmem:s15], [sflag:$0x2], $0x20, s31, s14, $0xb8;
	[tilespmem:$0xAE00] =	vst v63  }
0x21: {  	_ =	swait.ge [sflag:s12], $0x1000  }
0x22: {  	s19 =	simm.s32 $0x400;
	s18 =	simm.s32 $0x200;
	[sflag:s12] =	ssyncset.done $0x0  }
.LBB2_2:
0x23: {  	s20 =	sshra.s32 s18, $0x2  }
0x24: {  	[sflag:s12] =	ssyncadd.s32 $0xFFFFF000;
	s18 =	smov.u32 s19;
	s21 =	sadd.s32 $0x200, s19  }
0x25: {  	[tilespmem:s15], [sflag:$0x1] =	stream.indirect.gather [hbm4b:s4+s14], $0x20, s20, s14, $0xb8;
	[tilespmem:$0xAE00] =	vst v63  }
0x26: {  	p0 =	sne.s32 s19, $0x9C00;
	_ =	swait.ge [sflag:s16], $0x1000  }
.Ltmp0:
0x27: {  	[sflag:s16] =	ssyncset.done $0x0;
	(pc) =	sbr.rel @p0 .LBB2_2-.Ltmp0, $4  }
0x28: {  	s19 =	sadd.s32 $0x2780, s20;
	[sflag:s16] =	ssyncadd.s32 $0xFFFFF000  }
0x29: {  	[spmem:s2] =	stream.indirect.scatter.add.f32 [tilespmem:s15], [sflag:$0x2], $0x20, s19, s14, $0xb8;
	[tilespmem:$0xAE00] =	vst v63  }
0x2a: {  	_ =	swait.ge [sflag:s12], $0x1000  }
0x2b: {  	s19 =	smov.u32 s21;
	[sflag:s12] =	ssyncset.done $0x0  }
0x2c: {  	s18 =	sshra.s32 s18, $0x2;
	[sflag:s12] =	ssyncadd.s32 $0xFFFFF000  }
0x2d: {  	[tilespmem:s15], [sflag:$0x1] =	stream.indirect.gather [hbm4b:s4+s14], $0x20, s18, s14, $0xb8;
	[tilespmem:$0xAE00] =	vst v63  }
0x2e: {  	_ =	swait.ge [sflag:s16], $0x1000  }
0x2f: {  	[sflag:s16] =	ssyncset.done $0x0  }
0x30: {  	s18 =	sadd.s32 $0x2780, s18;
	[sflag:s16] =	ssyncadd.s32 $0xFFFFF000  }
0x31: {  	[spmem:s2] =	stream.indirect.scatter.add.f32 [tilespmem:s15], [sflag:$0x2], $0x20, s18, s14, $0xb8;
	[tilespmem:$0xAE00] =	vst v63  }
0x32: {  	_ =	swait.ge [sflag:s12], $0x1000  }
0x33: {  	s17 =	sadd.s32 $0x1, s17;
	[sflag:s12] =	ssyncset.done $0x0  }
0x34: {  	p0 =	sne.s32 s17, s10;
	[sflag:s12] =	ssyncadd.s32 $0xFFFFF000  }
.Ltmp1:
0x35: {  	[bflag:$0x0] =	sbarrier.arrive $0xFFFF;
	(pc) =	sbr.rel @p0 .LBB2_1-.Ltmp1, $4  }
0x36: {  	[hbm:s9], [sflag:s6] =	dma.local [spmem:s11], $0x9E0  }
0x37: {  	_ =	swait.ge [sflag:s12], $0x9E0  }
0x38: {  	[sflag:s12] =	ssyncset.done $0x0  }
0x39: {  	[sflag:s12] =	ssyncadd.s32 $0xFFFFF620  }
0x3a: {  	_ =	sfence.sel $0x180000  }
0x3b: {  	[bflag:$0x0] =	sbarrier.arrive $0xFFFF  }
0x3c: {  	p0 =	sne.s32 s0, $0x0;
	_ =	strace $0x90000053  }
0x3d: {  	s0 =	sadd.s32 @!p0 $0x100000, s1;
	[bflag:$0x2] =	sbarrier.arrive $0xFFFF  }
0x3e: {  	[sflag:s0] =	ssyncadd.tile.s32 @!p0 $0x1;
	_ =	shalt  }
.Lfunc_end2:
_tile_overlayer_lowered:
.L_overlay_start_2:
0x3f: {  	(tag) =	ssettag $0x2  }
0x40: {  	s0 =	rddreg [dreg:$0x0];
	s2 =	stileid.u32  }
0x41: {  	s1 =	rddreg [dreg:$0x1];
	p0 =	sne.s32 s2, $0x0  }
0x42: {  	s3 =	rddreg [dreg:$0x2];
	[bflag:$0x3] =	sbarrier.arrive $0xFFFF;
	s2 =	simm.s32 @!p0 $0x1C02  }
0x43: {  	[timem:s3], [sflag:s2] =	dma.local @!p0 [hbm:s0], s1  }
0x44: {  	s0 =	simm.s32 @!p0 $0x2  }
0x45: {  	_ =	swait.ge @!p0 [sflag:s0], s1  }
0x46: {  	s1 =	ssub.s32 @!p0 $0x0, s1;
	[sflag:s0] =	ssyncset.done @!p0 $0x0  }
0x47: {  	[sflag:s0] =	ssyncadd.s32 @!p0 s1  }
0x48: {  	[bflag:$0x3] =	sbarrier.arrive $0xFFFF  }
0x49: {  	_ =	shalt  }

</sc_bundles>
